<compile_context>
chip_gen: v7x
topology: tpu7x:2x2x1
jax: 0.10.2.dev20260603
libtpu: 0.0.44.dev20260713+nightly
codegen_flags: <defaults>
</compile_context>

<pallas_src>
import functools

import jax
import jax.numpy as jnp
from jax import lax
from jax.experimental import pallas as pl
from jax.experimental.pallas import tpu as pltpu
from jax.experimental.pallas import tpu_sc as plsc

B, C_IN, C_OUT, L, K = 4, 16, 16, 4096, 4
TR = 1024
NT = L // TR
BIG = 3.0e38
D = 128

_NC, _NS = 2, 16
_NW = _NC * _NS
_TPW = (B * L) // _NW
_IPW = _TPW * K
_ICH = 128
_NCH = _IPW // _ICH
_GCH = 2
_TCH = (_GCH * _ICH) // K


def _topk_body(x_rows_ref, x_all_ref, w_ref, bias_ref, idx_ref, yt_ref):
    b = pl.program_id(0)
    xr = x_rows_ref[0]
    xa = x_all_ref[0]
    dot = lax.dot_general(xr, xa, (((0,), (0,)), ((), ())),
                          preferred_element_type=jnp.float32)
    na = jnp.sum(xa * xa, axis=0, keepdims=True)
    ones = jnp.ones((C_IN, 1), dtype=jnp.float32)
    nr = lax.dot_general(xr * xr, ones, (((0,), (0,)), ((), ())),
                         preferred_element_type=jnp.float32)
    d = (na + nr) - 2.0 * dot
    d = jnp.maximum(d, 0.0)

    yt_ref[0] = (lax.dot_general(xr, w_ref[...], (((0,), (0,)), ((), ())),
                                 preferred_element_type=jnp.float32)
                 + bias_ref[...][None, :])

    colf = lax.broadcasted_iota(jnp.int32, (TR, L), 1).astype(jnp.float32)
    iks = []
    for k in range(K):
        m = jnp.min(d, axis=1, keepdims=True)
        ikf = jnp.min(jnp.where(d == m, colf, float(L)),
                      axis=1, keepdims=True)
        iks.append(ikf)
        if k < K - 1:
            d = jnp.where(colf == ikf, BIG, d)

    col4 = lax.broadcasted_iota(jnp.int32, (TR, K), 1)
    idxs = jnp.where(col4 == 0, iks[0],
                     jnp.where(col4 == 1, iks[1],
                               jnp.where(col4 == 2, iks[2], iks[3])))
    idx_ref[0] = idxs.astype(jnp.int32) + b * L


def _topk_ytable(x, W, bias):
    Wp = jnp.zeros((C_IN, D), jnp.float32)
    Wp = Wp.at[:, : K * C_OUT].set(W.transpose(1, 2, 0).reshape(C_IN, K * C_OUT))
    bp = jnp.zeros((D,), jnp.float32)
    bp = bp.at[: K * C_OUT].set(jnp.tile(bias * (1.0 / K), K))
    return pl.pallas_call(
        _topk_body,
        grid=(B, NT),
        in_specs=[
            pl.BlockSpec((1, C_IN, TR), lambda b, i: (b, 0, i)),
            pl.BlockSpec((1, C_IN, L), lambda b, i: (b, 0, 0)),
            pl.BlockSpec((C_IN, D), lambda b, i: (0, 0)),
            pl.BlockSpec((D,), lambda b, i: (0,)),
        ],
        out_specs=[
            pl.BlockSpec((1, TR, K), lambda b, i: (b * NT + i, 0, 0)),
            pl.BlockSpec((1, TR, D), lambda b, i: (b * NT + i, 0, 0)),
        ],
        out_shape=[
            jax.ShapeDtypeStruct((B * NT, TR, K), jnp.int32),
            jax.ShapeDtypeStruct((B * NT, TR, D), jnp.float32),
        ],
        compiler_params=pltpu.CompilerParams(
            dimension_semantics=("parallel", "parallel")),
    )(x, x, Wp, bp)


def _gather_body(table_hbm, idx_hbm, out_hbm, idx_v, rows_a, rows_b, out_v,
                 sem_a, sem_b):
    c = lax.axis_index("c")
    s = lax.axis_index("s")
    wid = s * _NC + c
    pltpu.sync_copy(idx_hbm.at[pl.ds(wid * _NCH, _NCH)], idx_v)
    bufs = (rows_a, rows_b)
    sems = (sem_a, sem_b)
    ng = _NCH // _GCH

    def fire(g):
        rows, sem = bufs[g % 2], sems[g % 2]
        return [
            pltpu.async_copy(table_hbm.at[idx_v.at[g * _GCH + j]],
                             rows.at[pl.ds(j * _ICH, _ICH)], sem)
            for j in range(_GCH)
        ]

    pending = fire(0)
    for g in range(ng):
        for cp in pending:
            cp.wait()
        if g + 1 < ng:
            pending = fire(g + 1)
        rows_v = bufs[g % 2]

        def body(t, carry):
            base = t * K
            r = ((rows_v[base, pl.ds(0, 16)]
                  + rows_v[base + 1, pl.ds(16, 16)])
                 + (rows_v[base + 2, pl.ds(32, 16)]
                    + rows_v[base + 3, pl.ds(48, 16)]))
            out_v[g * _TCH + t] = r
            return carry

        lax.fori_loop(0, _TCH, body, 0)
    pltpu.sync_copy(out_v, out_hbm.at[pl.ds(wid * _TPW, _TPW)])


def _gather_sum(table, idx_flat2d):
    mesh = plsc.VectorSubcoreMesh(core_axis_name="c", subcore_axis_name="s")
    run = functools.partial(
        pl.kernel,
        out_type=jax.ShapeDtypeStruct((B * L, C_OUT), jnp.float32),
        mesh=mesh,
        scratch_types=[
            pltpu.VMEM((_NCH, _ICH), jnp.int32),
            pltpu.VMEM((_GCH * _ICH, D), jnp.float32),
            pltpu.VMEM((_GCH * _ICH, D), jnp.float32),
            pltpu.VMEM((_TPW, C_OUT), jnp.float32),
            pltpu.SemaphoreType.DMA,
            pltpu.SemaphoreType.DMA,
        ],
        compiler_params=pltpu.CompilerParams(use_tc_tiling_on_sc=False),
    )(_gather_body)
    return run(table, idx_flat2d)


def kernel(x, W, b):
    idx, yt = _topk_ytable(x, W, b)
    table = yt.reshape(B * L, D)
    idx2d = idx.reshape((B * L * K) // _ICH, _ICH)
    out_flat = _gather_sum(table, idx2d)
    return out_flat.reshape(B, L, C_OUT).transpose(0, 2, 1)

# --- scband reference (transcript-rebuilt; emitter-appended) ---
"""Pipeline reference for scband-conv1d-nn-44976897523804 (READ-ONLY COPY).

The authoritative reference and input builder live on the scoring server;
editing this copy changes nothing except your own understanding.
"""

import jax, jax.numpy as jnp
import numpy as np

B, C_IN, C_OUT, L, K = 4, 16, 16, 4096, 4

def setup_inputs(seed: int = 0) -> dict:
    key = jax.random.key(seed)
    k1, k2, k3 = jax.random.split(key, 3)
    x = jax.random.normal(k1, (B, C_IN, L), dtype=jnp.float32)
    W = jax.random.normal(k2, (C_OUT, C_IN, K), dtype=jnp.float32) * (1.0 / np.sqrt(C_IN * K))
    b = jax.random.normal(k3, (C_OUT,), dtype=jnp.float32) * 0.01
    return {"x": x, "W": W, "b": b}


def reference(x, W, b):
    # samples == 'all', shuffle_pattern == 'NA', magnitude_type == 'distance'
    # 1) all-pairs squared-euclidean distance matrix [B, L, L]
    norm_sq = jnp.sum(x ** 2, axis=1, keepdims=True)            # [B, 1, L]
    dot = jnp.einsum('bct,bcs->bts', x, x)                       # [B, L, L]
    dist = norm_sq + jnp.transpose(norm_sq, (0, 2, 1)) - 2.0 * dot
    dist = jnp.clip(dist, 0.0)
    # 2) K nearest neighbors (smallest distance; maximum=False -> negate for top_k)
    _, idx = jax.lax.top_k(-dist, K)                             # [B, L, K]
    idx_flat = idx.reshape(B, L * K)                             # [B, L*K]
    # 3) gather neighbor tokens -> prime [B, C, L*K]
    prime = jnp.take_along_axis(x, idx_flat[:, None, :], axis=2)
    # 4) Conv1d kernel=K stride=K padding=0 -> [B, C_OUT, L]
    out = jax.lax.conv_general_dilated(
        prime, W, window_strides=(K,), padding=[(0, 0)],
        dimension_numbers=('NCH', 'OIH', 'NCH'))
    out = out + b[None, :, None]
    return out

if __name__ == "__main__":
    import jax
    _d = setup_inputs()
    print(jax.jit(kernel)(*tuple(_d.values())))

</pallas_src>

<mosaic_0001>
#map = affine_map<(d0, d1) -> (0, 0)>
module attributes {stable_mosaic.version = 14 : i64} {
  func.func @_gather_body(%arg0: i32, %arg1: i32, %arg2: memref<16384x128xf32, #tpu.memory_space<hbm>>, %arg3: memref<512x128xi32, #tpu.memory_space<hbm>>, %arg4: memref<16384x16xf32, #tpu.memory_space<hbm>>, %arg5: memref<16x128xi32, #tpu.memory_space<vmem>>, %arg6: memref<256x128xf32, #tpu.memory_space<vmem>>, %arg7: memref<256x128xf32, #tpu.memory_space<vmem>>, %arg8: memref<512x16xf32, #tpu.memory_space<vmem>>, %arg9: memref<!tpu.dma_semaphore, #tpu.memory_space<semaphore_mem>>, %arg10: memref<!tpu.dma_semaphore, #tpu.memory_space<semaphore_mem>>) attributes {dimension_semantics = [#tpu.dimension_semantics<core_parallel>, #tpu.dimension_semantics<subcore_parallel>], iteration_bounds = array<i64: 2, 16>, scalar_prefetch = 0 : i64, scratch_operands = 6 : i64, tpu.core_type = #tpu.core_type<sc_vector_subcore>, window_params = [{transform_indices = #map}, {transform_indices = #map}, {transform_indices = #map}]} {
    %mul3A = arith.constant 2 : i32
    %mul3A_0 = arith.muli %arg1, %mul3A : i32
    %add3A = arith.addi %mul3A_0, %arg0 : i32
    %mul3A_1 = arith.constant 16 : i32
    %mul3A_2 = arith.muli %add3A, %mul3A_1 : i32
    "tpu.region"() ({
      %run_scoped3A = tpu.sem_alloc : memref<!tpu.dma_semaphore, #tpu.memory_space<semaphore_mem>>
      %dma_start3A_370 = arith.constant 0 : i32
      %dma_start3A_371 = tpu.memref_slice %arg3[%mul3A_2, %dma_start3A_370] : memref<512x128xi32, #tpu.memory_space<hbm>> -> memref<16x128xi32, #tpu.memory_space<hbm>>
      %dma_start3A_372 = arith.constant 0 : i32
      %dma_start3A_373 = tpu.memref_slice %arg3[%mul3A_2, %dma_start3A_372] : memref<512x128xi32, #tpu.memory_space<hbm>> -> memref<16x128xi32, #tpu.memory_space<hbm>>
      tpu.enqueue_dma source(%dma_start3A_373 : memref<16x128xi32, #tpu.memory_space<hbm>>) target(%arg5 : memref<16x128xi32, #tpu.memory_space<vmem>>) target_semaphore(%run_scoped3A : memref<!tpu.dma_semaphore, #tpu.memory_space<semaphore_mem>>)
      %dma_wait3A_374 = arith.constant 0 : i32
      %dma_wait3A_375 = tpu.memref_slice %arg3[%mul3A_2, %dma_wait3A_374] : memref<512x128xi32, #tpu.memory_space<hbm>> -> memref<16x128xi32, #tpu.memory_space<hbm>>
      %dma_wait3A_376 = arith.constant 0 : i32
      %dma_wait3A_377 = tpu.memref_slice %arg3[%mul3A_2, %dma_wait3A_376] : memref<512x128xi32, #tpu.memory_space<hbm>> -> memref<16x128xi32, #tpu.memory_space<hbm>>
      tpu.wait_dma2 semaphore(%run_scoped3A : memref<!tpu.dma_semaphore, #tpu.memory_space<semaphore_mem>>) src(%dma_wait3A_377 : memref<16x128xi32, #tpu.memory_space<hbm>>) dst(%arg5 : memref<16x128xi32, #tpu.memory_space<vmem>>)
      tpu.yield
    }) : () -> ()
    %dma_start3A = arith.constant 0 : i32
    %dma_start3A_3 = arith.constant 0 : i32
    %dma_start3A_4 = arith.constant 0 : i32
    %dma_start3A_5 = tpu.memref_slice %arg6[%dma_start3A_3, %dma_start3A_4] : memref<256x128xf32, #tpu.memory_space<vmem>> -> memref<128x128xf32, #tpu.memory_space<vmem>>
    %dma_start3A_6 = arith.constant 0 : i32
    %dma_start3A_7 = tpu.memref_slice %arg5[%dma_start3A, %dma_start3A_6] : memref<16x128xi32, #tpu.memory_space<vmem>> -> memref<1x128xi32, #tpu.memory_space<vmem>>
    %dma_start3A_8 = tpu.memref_squeeze %dma_start3A_7 : memref<1x128xi32, #tpu.memory_space<vmem>> -> memref<128xi32, #tpu.memory_space<vmem>>
    %dma_start3A_9 = arith.constant 0 : i32
    %dma_start3A_10 = arith.constant 0 : i32
    %dma_start3A_11 = tpu.memref_slice %arg2[%dma_start3A_9, %dma_start3A_10] : memref<16384x128xf32, #tpu.memory_space<hbm>> -> memref<16384x128xf32, #tpu.memory_space<hbm>>
    tpu.enqueue_indirect_dma source(%dma_start3A_11 : memref<16384x128xf32, #tpu.memory_space<hbm>>) target(%dma_start3A_5 : memref<128x128xf32, #tpu.memory_space<vmem>>) offsets(%dma_start3A_8 : memref<128xi32, #tpu.memory_space<vmem>>) semaphore(%arg9 : memref<!tpu.dma_semaphore, #tpu.memory_space<semaphore_mem>>)
    %dma_start3A_12 = arith.constant 1 : i32
    %dma_start3A_13 = arith.constant 128 : i32
    %dma_start3A_14 = arith.constant 0 : i32
    %dma_start3A_15 = tpu.memref_slice %arg6[%dma_start3A_13, %dma_start3A_14] : memref<256x128xf32, #tpu.memory_space<vmem>> -> memref<128x128xf32, #tpu.memory_space<vmem>>
    %dma_start3A_16 = arith.constant 0 : i32
    %dma_start3A_17 = tpu.memref_slice %arg5[%dma_start3A_12, %dma_start3A_16] : memref<16x128xi32, #tpu.memory_space<vmem>> -> memref<1x128xi32, #tpu.memory_space<vmem>>
    %dma_start3A_18 = tpu.memref_squeeze %dma_start3A_17 : memref<1x128xi32, #tpu.memory_space<vmem>> -> memref<128xi32, #tpu.memory_space<vmem>>
    %dma_start3A_19 = arith.constant 0 : i32
    %dma_start3A_20 = arith.constant 0 : i32
    %dma_start3A_21 = tpu.memref_slice %arg2[%dma_start3A_19, %dma_start3A_20] : memref<16384x128xf32, #tpu.memory_space<hbm>> -> memref<16384x128xf32, #tpu.memory_space<hbm>>
    tpu.enqueue_indirect_dma source(%dma_start3A_21 : memref<16384x128xf32, #tpu.memory_space<hbm>>) target(%dma_start3A_15 : memref<128x128xf32, #tpu.memory_space<vmem>>) offsets(%dma_start3A_18 : memref<128xi32, #tpu.memory_space<vmem>>) semaphore(%arg9 : memref<!tpu.dma_semaphore, #tpu.memory_space<semaphore_mem>>)
    %dma_wait3A = arith.constant 0 : i32
    %dma_wait3A_22 = arith.constant 0 : i32
    %dma_wait3A_23 = arith.constant 0 : i32
    %dma_wait3A_24 = tpu.memref_slice %arg6[%dma_wait3A_22, %dma_wait3A_23] : memref<256x128xf32, #tpu.memory_space<vmem>> -> memref<128x128xf32, #tpu.memory_space<vmem>>
    %dma_wait3A_25 = arith.constant 0 : i32
    %dma_wait3A_26 = tpu.memref_slice %arg5[%dma_wait3A, %dma_wait3A_25] : memref<16x128xi32, #tpu.memory_space<vmem>> -> memref<1x128xi32, #tpu.memory_space<vmem>>
    %dma_wait3A_27 = tpu.memref_squeeze %dma_wait3A_26 : memref<1x128xi32, #tpu.memory_space<vmem>> -> memref<128xi32, #tpu.memory_space<vmem>>
    %dma_wait3A_28 = arith.constant 0 : i32
    %dma_wait3A_29 = arith.constant 0 : i32
    %dma_wait3A_30 = tpu.memref_slice %arg2[%dma_wait3A_28, %dma_wait3A_29] : memref<16384x128xf32, #tpu.memory_space<hbm>> -> memref<16384x128xf32, #tpu.memory_space<hbm>>
    tpu.wait_indirect_dma semaphore(%arg9 : memref<!tpu.dma_semaphore, #tpu.memory_space<semaphore_mem>>) src(%dma_wait3A_30 : memref<16384x128xf32, #tpu.memory_space<hbm>>) dst(%dma_wait3A_24 : memref<128x128xf32, #tpu.memory_space<vmem>>)
    %dma_wait3A_31 = arith.constant 1 : i32
    %dma_wait3A_32 = arith.constant 128 : i32
    %dma_wait3A_33 = arith.constant 0 : i32
    %dma_wait3A_34 = tpu.memref_slice %arg6[%dma_wait3A_32, %dma_wait3A_33] : memref<256x128xf32, #tpu.memory_space<vmem>> -> memref<128x128xf32, #tpu.memory_space<vmem>>
    %dma_wait3A_35 = arith.constant 0 : i32
    %dma_wait3A_36 = tpu.memref_slice %arg5[%dma_wait3A_31, %dma_wait3A_35] : memref<16x128xi32, #tpu.memory_space<vmem>> -> memref<1x128xi32, #tpu.memory_space<vmem>>
    %dma_wait3A_37 = tpu.memref_squeeze %dma_wait3A_36 : memref<1x128xi32, #tpu.memory_space<vmem>> -> memref<128xi32, #tpu.memory_space<vmem>>
    %dma_wait3A_38 = arith.constant 0 : i32
    %dma_wait3A_39 = arith.constant 0 : i32
    %dma_wait3A_40 = tpu.memref_slice %arg2[%dma_wait3A_38, %dma_wait3A_39] : memref<16384x128xf32, #tpu.memory_space<hbm>> -> memref<16384x128xf32, #tpu.memory_space<hbm>>
    tpu.wait_indirect_dma semaphore(%arg9 : memref<!tpu.dma_semaphore, #tpu.memory_space<semaphore_mem>>) src(%dma_wait3A_40 : memref<16384x128xf32, #tpu.memory_space<hbm>>) dst(%dma_wait3A_34 : memref<128x128xf32, #tpu.memory_space<vmem>>)
    %dma_start3A_41 = arith.constant 2 : i32
    %dma_start3A_42 = arith.constant 0 : i32
    %dma_start3A_43 = arith.constant 0 : i32
    %dma_start3A_44 = tpu.memref_slice %arg7[%dma_start3A_42, %dma_start3A_43] : memref<256x128xf32, #tpu.memory_space<vmem>> -> memref<128x128xf32, #tpu.memory_space<vmem>>
    %dma_start3A_45 = arith.constant 0 : i32
    %dma_start3A_46 = tpu.memref_slice %arg5[%dma_start3A_41, %dma_start3A_45] : memref<16x128xi32, #tpu.memory_space<vmem>> -> memref<1x128xi32, #tpu.memory_space<vmem>>
    %dma_start3A_47 = tpu.memref_squeeze %dma_start3A_46 : memref<1x128xi32, #tpu.memory_space<vmem>> -> memref<128xi32, #tpu.memory_space<vmem>>
    %dma_start3A_48 = arith.constant 0 : i32
    %dma_start3A_49 = arith.constant 0 : i32
    %dma_start3A_50 = tpu.memref_slice %arg2[%dma_start3A_48, %dma_start3A_49] : memref<16384x128xf32, #tpu.memory_space<hbm>> -> memref<16384x128xf32, #tpu.memory_space<hbm>>
    tpu.enqueue_indirect_dma source(%dma_start3A_50 : memref<16384x128xf32, #tpu.memory_space<hbm>>) target(%dma_start3A_44 : memref<128x128xf32, #tpu.memory_space<vmem>>) offsets(%dma_start3A_47 : memref<128xi32, #tpu.memory_space<vmem>>) semaphore(%arg10 : memref<!tpu.dma_semaphore, #tpu.memory_space<semaphore_mem>>)
    %dma_start3A_51 = arith.constant 3 : i32
    %dma_start3A_52 = arith.constant 128 : i32
    %dma_start3A_53 = arith.constant 0 : i32
    %dma_start3A_54 = tpu.memref_slice %arg7[%dma_start3A_52, %dma_start3A_53] : memref<256x128xf32, #tpu.memory_space<vmem>> -> memref<128x128xf32, #tpu.memory_space<vmem>>
    %dma_start3A_55 = arith.constant 0 : i32
    %dma_start3A_56 = tpu.memref_slice %arg5[%dma_start3A_51, %dma_start3A_55] : memref<16x128xi32, #tpu.memory_space<vmem>> -> memref<1x128xi32, #tpu.memory_space<vmem>>
    %dma_start3A_57 = tpu.memref_squeeze %dma_start3A_56 : memref<1x128xi32, #tpu.memory_space<vmem>> -> memref<128xi32, #tpu.memory_space<vmem>>
    %dma_start3A_58 = arith.constant 0 : i32
    %dma_start3A_59 = arith.constant 0 : i32
    %dma_start3A_60 = tpu.memref_slice %arg2[%dma_start3A_58, %dma_start3A_59] : memref<16384x128xf32, #tpu.memory_space<hbm>> -> memref<16384x128xf32, #tpu.memory_space<hbm>>
    tpu.enqueue_indirect_dma source(%dma_start3A_60 : memref<16384x128xf32, #tpu.memory_space<hbm>>) target(%dma_start3A_54 : memref<128x128xf32, #tpu.memory_space<vmem>>) offsets(%dma_start3A_57 : memref<128xi32, #tpu.memory_space<vmem>>) semaphore(%arg10 : memref<!tpu.dma_semaphore, #tpu.memory_space<semaphore_mem>>)
    %scan3A = arith.constant 0 : i32
    %scan3A_61 = arith.constant 0 : i32
    %scan3A_62 = arith.constant 64 : i32
    %scan3A_63 = arith.addi %scan3A_61, %scan3A_62 : i32
    %scan3A_64 = arith.constant 1 : i32
    scf.for %scan3A_370 = %scan3A_61 to %scan3A_63 step %scan3A_64  : i32 {
      %mul3A_371 = arith.constant 4 : i32
      %mul3A_372 = arith.muli %scan3A_370, %mul3A_371 : i32
      %get3A = arith.index_cast %mul3A_372 : i32 to index
      %get3A_373 = arith.constant 0 : index
      %get3A_374 = tpu.vector_load %arg6[%get3A, %get3A_373] {strides = array<i32>} : memref<256x128xf32, #tpu.memory_space<vmem>>, vector<1x16xf32>,
      %get3A_375 = vector.shape_cast %get3A_374 : vector<1x16xf32> to vector<16xf32>
      %add3A_376 = arith.constant 1 : i32
      %add3A_377 = arith.addi %mul3A_372, %add3A_376 : i32
      %get3A_378 = arith.index_cast %add3A_377 : i32 to index
      %get3A_379 = arith.constant 16 : index
      %get3A_380 = tpu.vector_load %arg6[%get3A_378, %get3A_379] {strides = array<i32>} : memref<256x128xf32, #tpu.memory_space<vmem>>, vector<1x16xf32>,
      %get3A_381 = vector.shape_cast %get3A_380 : vector<1x16xf32> to vector<16xf32>
      %add3A_382 = arith.addf %get3A_375, %get3A_381 : vector<16xf32>
      %add3A_383 = arith.constant 2 : i32
      %add3A_384 = arith.addi %mul3A_372, %add3A_383 : i32
      %get3A_385 = arith.index_cast %add3A_384 : i32 to index
      %get3A_386 = arith.constant 32 : index
      %get3A_387 = tpu.vector_load %arg6[%get3A_385, %get3A_386] {strides = array<i32>} : memref<256x128xf32, #tpu.memory_space<vmem>>, vector<1x16xf32>,
      %get3A_388 = vector.shape_cast %get3A_387 : vector<1x16xf32> to vector<16xf32>
      %add3A_389 = arith.constant 3 : i32
      %add3A_390 = arith.addi %mul3A_372, %add3A_389 : i32
      %get3A_391 = arith.index_cast %add3A_390 : i32 to index
      %get3A_392 = arith.constant 48 : index
      %get3A_393 = tpu.vector_load %arg6[%get3A_391, %get3A_392] {strides = array<i32>} : memref<256x128xf32, #tpu.memory_space<vmem>>, vector<1x16xf32>,
      %get3A_394 = vector.shape_cast %get3A_393 : vector<1x16xf32> to vector<16xf32>
      %add3A_395 = arith.addf %get3A_388, %get3A_394 : vector<16xf32>
      %add3A_396 = arith.addf %add3A_382, %add3A_395 : vector<16xf32>
      %add3A_397 = arith.constant 0 : i32
      %add3A_398 = arith.addi %add3A_397, %scan3A_370 : i32
      %swap3A = arith.index_cast %add3A_398 : i32 to index
      %swap3A_399 = arith.constant 0 : index
      %swap3A_400 = tpu.vector_load %arg8[%swap3A, %swap3A_399] {strides = array<i32>} : memref<512x16xf32, #tpu.memory_space<vmem>>, vector<1x16xf32>,
      %swap3A_401 = vector.shape_cast %swap3A_400 : vector<1x16xf32> to vector<16xf32>
      %swap3A_402 = vector.shape_cast %add3A_396 : vector<16xf32> to vector<1x16xf32>
      tpu.vector_store %arg8[%swap3A, %swap3A_399], %swap3A_402 {strides = array<i32>} : memref<512x16xf32, #tpu.memory_space<vmem>>, vector<1x16xf32>,
    }
    %scan3A_65 = arith.constant 64 : i32
    %dma_wait3A_66 = arith.constant 2 : i32
    %dma_wait3A_67 = arith.constant 0 : i32
    %dma_wait3A_68 = arith.constant 0 : i32
    %dma_wait3A_69 = tpu.memref_slice %arg7[%dma_wait3A_67, %dma_wait3A_68] : memref<256x128xf32, #tpu.memory_space<vmem>> -> memref<128x128xf32, #tpu.memory_space<vmem>>
    %dma_wait3A_70 = arith.constant 0 : i32
    %dma_wait3A_71 = tpu.memref_slice %arg5[%dma_wait3A_66, %dma_wait3A_70] : memref<16x128xi32, #tpu.memory_space<vmem>> -> memref<1x128xi32, #tpu.memory_space<vmem>>
    %dma_wait3A_72 = tpu.memref_squeeze %dma_wait3A_71 : memref<1x128xi32, #tpu.memory_space<vmem>> -> memref<128xi32, #tpu.memory_space<vmem>>
    %dma_wait3A_73 = arith.constant 0 : i32
    %dma_wait3A_74 = arith.constant 0 : i32
    %dma_wait3A_75 = tpu.memref_slice %arg2[%dma_wait3A_73, %dma_wait3A_74] : memref<16384x128xf32, #tpu.memory_space<hbm>> -> memref<16384x128xf32, #tpu.memory_space<hbm>>
    tpu.wait_indirect_dma semaphore(%arg10 : memref<!tpu.dma_semaphore, #tpu.memory_space<semaphore_mem>>) src(%dma_wait3A_75 : memref<16384x128xf32, #tpu.memory_space<hbm>>) dst(%dma_wait3A_69 : memref<128x128xf32, #tpu.memory_space<vmem>>)
    %dma_wait3A_76 = arith.constant 3 : i32
    %dma_wait3A_77 = arith.constant 128 : i32
    %dma_wait3A_78 = arith.constant 0 : i32
    %dma_wait3A_79 = tpu.memref_slice %arg7[%dma_wait3A_77, %dma_wait3A_78] : memref<256x128xf32, #tpu.memory_space<vmem>> -> memref<128x128xf32, #tpu.memory_space<vmem>>
    %dma_wait3A_80 = arith.constant 0 : i32
    %dma_wait3A_81 = tpu.memref_slice %arg5[%dma_wait3A_76, %dma_wait3A_80] : memref<16x128xi32, #tpu.memory_space<vmem>> -> memref<1x128xi32, #tpu.memory_space<vmem>>
    %dma_wait3A_82 = tpu.memref_squeeze %dma_wait3A_81 : memref<1x128xi32, #tpu.memory_space<vmem>> -> memref<128xi32, #tpu.memory_space<vmem>>
    %dma_wait3A_83 = arith.constant 0 : i32
    %dma_wait3A_84 = arith.constant 0 : i32
    %dma_wait3A_85 = tpu.memref_slice %arg2[%dma_wait3A_83, %dma_wait3A_84] : memref<16384x128xf32, #tpu.memory_space<hbm>> -> memref<16384x128xf32, #tpu.memory_space<hbm>>
    tpu.wait_indirect_dma semaphore(%arg10 : memref<!tpu.dma_semaphore, #tpu.memory_space<semaphore_mem>>) src(%dma_wait3A_85 : memref<16384x128xf32, #tpu.memory_space<hbm>>) dst(%dma_wait3A_79 : memref<128x128xf32, #tpu.memory_space<vmem>>)
    %dma_start3A_86 = arith.constant 4 : i32
    %dma_start3A_87 = arith.constant 0 : i32
    %dma_start3A_88 = arith.constant 0 : i32
    %dma_start3A_89 = tpu.memref_slice %arg6[%dma_start3A_87, %dma_start3A_88] : memref<256x128xf32, #tpu.memory_space<vmem>> -> memref<128x128xf32, #tpu.memory_space<vmem>>
    %dma_start3A_90 = arith.constant 0 : i32
    %dma_start3A_91 = tpu.memref_slice %arg5[%dma_start3A_86, %dma_start3A_90] : memref<16x128xi32, #tpu.memory_space<vmem>> -> memref<1x128xi32, #tpu.memory_space<vmem>>
    %dma_start3A_92 = tpu.memref_squeeze %dma_start3A_91 : memref<1x128xi32, #tpu.memory_space<vmem>> -> memref<128xi32, #tpu.memory_space<vmem>>
    %dma_start3A_93 = arith.constant 0 : i32
    %dma_start3A_94 = arith.constant 0 : i32
    %dma_start3A_95 = tpu.memref_slice %arg2[%dma_start3A_93, %dma_start3A_94] : memref<16384x128xf32, #tpu.memory_space<hbm>> -> memref<16384x128xf32, #tpu.memory_space<hbm>>
    tpu.enqueue_indirect_dma source(%dma_start3A_95 : memref<16384x128xf32, #tpu.memory_space<hbm>>) target(%dma_start3A_89 : memref<128x128xf32, #tpu.memory_space<vmem>>) offsets(%dma_start3A_92 : memref<128xi32, #tpu.memory_space<vmem>>) semaphore(%arg9 : memref<!tpu.dma_semaphore, #tpu.memory_space<semaphore_mem>>)
    %dma_start3A_96 = arith.constant 5 : i32
    %dma_start3A_97 = arith.constant 128 : i32
    %dma_start3A_98 = arith.constant 0 : i32
    %dma_start3A_99 = tpu.memref_slice %arg6[%dma_start3A_97, %dma_start3A_98] : memref<256x128xf32, #tpu.memory_space<vmem>> -> memref<128x128xf32, #tpu.memory_space<vmem>>
    %dma_start3A_100 = arith.constant 0 : i32
    %dma_start3A_101 = tpu.memref_slice %arg5[%dma_start3A_96, %dma_start3A_100] : memref<16x128xi32, #tpu.memory_space<vmem>> -> memref<1x128xi32, #tpu.memory_space<vmem>>
    %dma_start3A_102 = tpu.memref_squeeze %dma_start3A_101 : memref<1x128xi32, #tpu.memory_space<vmem>> -> memref<128xi32, #tpu.memory_space<vmem>>
    %dma_start3A_103 = arith.constant 0 : i32
    %dma_start3A_104 = arith.constant 0 : i32
    %dma_start3A_105 = tpu.memref_slice %arg2[%dma_start3A_103, %dma_start3A_104] : memref<16384x128xf32, #tpu.memory_space<hbm>> -> memref<16384x128xf32, #tpu.memory_space<hbm>>
    tpu.enqueue_indirect_dma source(%dma_start3A_105 : memref<16384x128xf32, #tpu.memory_space<hbm>>) target(%dma_start3A_99 : memref<128x128xf32, #tpu.memory_space<vmem>>) offsets(%dma_start3A_102 : memref<128xi32, #tpu.memory_space<vmem>>) semaphore(%arg9 : memref<!tpu.dma_semaphore, #tpu.memory_space<semaphore_mem>>)
    %scan3A_106 = arith.constant 0 : i32
    %scan3A_107 = arith.constant 0 : i32
    %scan3A_108 = arith.constant 64 : i32
    %scan3A_109 = arith.addi %scan3A_107, %scan3A_108 : i32
    %scan3A_110 = arith.constant 1 : i32
    scf.for %scan3A_370 = %scan3A_107 to %scan3A_109 step %scan3A_110  : i32 {
      %mul3A_371 = arith.constant 4 : i32
      %mul3A_372 = arith.muli %scan3A_370, %mul3A_371 : i32
      %get3A = arith.index_cast %mul3A_372 : i32 to index
      %get3A_373 = arith.constant 0 : index
      %get3A_374 = tpu.vector_load %arg7[%get3A, %get3A_373] {strides = array<i32>} : memref<256x128xf32, #tpu.memory_space<vmem>>, vector<1x16xf32>,
      %get3A_375 = vector.shape_cast %get3A_374 : vector<1x16xf32> to vector<16xf32>
      %add3A_376 = arith.constant 1 : i32
      %add3A_377 = arith.addi %mul3A_372, %add3A_376 : i32
      %get3A_378 = arith.index_cast %add3A_377 : i32 to index
      %get3A_379 = arith.constant 16 : index
      %get3A_380 = tpu.vector_load %arg7[%get3A_378, %get3A_379] {strides = array<i32>} : memref<256x128xf32, #tpu.memory_space<vmem>>, vector<1x16xf32>,
      %get3A_381 = vector.shape_cast %get3A_380 : vector<1x16xf32> to vector<16xf32>
      %add3A_382 = arith.addf %get3A_375, %get3A_381 : vector<16xf32>
      %add3A_383 = arith.constant 2 : i32
      %add3A_384 = arith.addi %mul3A_372, %add3A_383 : i32
      %get3A_385 = arith.index_cast %add3A_384 : i32 to index
      %get3A_386 = arith.constant 32 : index
      %get3A_387 = tpu.vector_load %arg7[%get3A_385, %get3A_386] {strides = array<i32>} : memref<256x128xf32, #tpu.memory_space<vmem>>, vector<1x16xf32>,
      %get3A_388 = vector.shape_cast %get3A_387 : vector<1x16xf32> to vector<16xf32>
      %add3A_389 = arith.constant 3 : i32
      %add3A_390 = arith.addi %mul3A_372, %add3A_389 : i32
      %get3A_391 = arith.index_cast %add3A_390 : i32 to index
      %get3A_392 = arith.constant 48 : index
      %get3A_393 = tpu.vector_load %arg7[%get3A_391, %get3A_392] {strides = array<i32>} : memref<256x128xf32, #tpu.memory_space<vmem>>, vector<1x16xf32>,
      %get3A_394 = vector.shape_cast %get3A_393 : vector<1x16xf32> to vector<16xf32>
      %add3A_395 = arith.addf %get3A_388, %get3A_394 : vector<16xf32>
      %add3A_396 = arith.addf %add3A_382, %add3A_395 : vector<16xf32>
      %add3A_397 = arith.constant 64 : i32
      %add3A_398 = arith.addi %add3A_397, %scan3A_370 : i32
      %swap3A = arith.index_cast %add3A_398 : i32 to index
      %swap3A_399 = arith.constant 0 : index
      %swap3A_400 = tpu.vector_load %arg8[%swap3A, %swap3A_399] {strides = array<i32>} : memref<512x16xf32, #tpu.memory_space<vmem>>, vector<1x16xf32>,
      %swap3A_401 = vector.shape_cast %swap3A_400 : vector<1x16xf32> to vector<16xf32>
      %swap3A_402 = vector.shape_cast %add3A_396 : vector<16xf32> to vector<1x16xf32>
      tpu.vector_store %arg8[%swap3A, %swap3A_399], %swap3A_402 {strides = array<i32>} : memref<512x16xf32, #tpu.memory_space<vmem>>, vector<1x16xf32>,
    }
    %scan3A_111 = arith.constant 64 : i32
    %dma_wait3A_112 = arith.constant 4 : i32
    %dma_wait3A_113 = arith.constant 0 : i32
    %dma_wait3A_114 = arith.constant 0 : i32
    %dma_wait3A_115 = tpu.memref_slice %arg6[%dma_wait3A_113, %dma_wait3A_114] : memref<256x128xf32, #tpu.memory_space<vmem>> -> memref<128x128xf32, #tpu.memory_space<vmem>>
    %dma_wait3A_116 = arith.constant 0 : i32
    %dma_wait3A_117 = tpu.memref_slice %arg5[%dma_wait3A_112, %dma_wait3A_116] : memref<16x128xi32, #tpu.memory_space<vmem>> -> memref<1x128xi32, #tpu.memory_space<vmem>>
    %dma_wait3A_118 = tpu.memref_squeeze %dma_wait3A_117 : memref<1x128xi32, #tpu.memory_space<vmem>> -> memref<128xi32, #tpu.memory_space<vmem>>
    %dma_wait3A_119 = arith.constant 0 : i32
    %dma_wait3A_120 = arith.constant 0 : i32
    %dma_wait3A_121 = tpu.memref_slice %arg2[%dma_wait3A_119, %dma_wait3A_120] : memref<16384x128xf32, #tpu.memory_space<hbm>> -> memref<16384x128xf32, #tpu.memory_space<hbm>>
    tpu.wait_indirect_dma semaphore(%arg9 : memref<!tpu.dma_semaphore, #tpu.memory_space<semaphore_mem>>) src(%dma_wait3A_121 : memref<16384x128xf32, #tpu.memory_space<hbm>>) dst(%dma_wait3A_115 : memref<128x128xf32, #tpu.memory_space<vmem>>)
    %dma_wait3A_122 = arith.constant 5 : i32
    %dma_wait3A_123 = arith.constant 128 : i32
    %dma_wait3A_124 = arith.constant 0 : i32
    %dma_wait3A_125 = tpu.memref_slice %arg6[%dma_wait3A_123, %dma_wait3A_124] : memref<256x128xf32, #tpu.memory_space<vmem>> -> memref<128x128xf32, #tpu.memory_space<vmem>>
    %dma_wait3A_126 = arith.constant 0 : i32
    %dma_wait3A_127 = tpu.memref_slice %arg5[%dma_wait3A_122, %dma_wait3A_126] : memref<16x128xi32, #tpu.memory_space<vmem>> -> memref<1x128xi32, #tpu.memory_space<vmem>>
    %dma_wait3A_128 = tpu.memref_squeeze %dma_wait3A_127 : memref<1x128xi32, #tpu.memory_space<vmem>> -> memref<128xi32, #tpu.memory_space<vmem>>
    %dma_wait3A_129 = arith.constant 0 : i32
    %dma_wait3A_130 = arith.constant 0 : i32
    %dma_wait3A_131 = tpu.memref_slice %arg2[%dma_wait3A_129, %dma_wait3A_130] : memref<16384x128xf32, #tpu.memory_space<hbm>> -> memref<16384x128xf32, #tpu.memory_space<hbm>>
    tpu.wait_indirect_dma semaphore(%arg9 : memref<!tpu.dma_semaphore, #tpu.memory_space<semaphore_mem>>) src(%dma_wait3A_131 : memref<16384x128xf32, #tpu.memory_space<hbm>>) dst(%dma_wait3A_125 : memref<128x128xf32, #tpu.memory_space<vmem>>)
    %dma_start3A_132 = arith.constant 6 : i32
    %dma_start3A_133 = arith.constant 0 : i32
    %dma_start3A_134 = arith.constant 0 : i32
    %dma_start3A_135 = tpu.memref_slice %arg7[%dma_start3A_133, %dma_start3A_134] : memref<256x128xf32, #tpu.memory_space<vmem>> -> memref<128x128xf32, #tpu.memory_space<vmem>>
    %dma_start3A_136 = arith.constant 0 : i32
    %dma_start3A_137 = tpu.memref_slice %arg5[%dma_start3A_132, %dma_start3A_136] : memref<16x128xi32, #tpu.memory_space<vmem>> -> memref<1x128xi32, #tpu.memory_space<vmem>>
    %dma_start3A_138 = tpu.memref_squeeze %dma_start3A_137 : memref<1x128xi32, #tpu.memory_space<vmem>> -> memref<128xi32, #tpu.memory_space<vmem>>
    %dma_start3A_139 = arith.constant 0 : i32
    %dma_start3A_140 = arith.constant 0 : i32
    %dma_start3A_141 = tpu.memref_slice %arg2[%dma_start3A_139, %dma_start3A_140] : memref<16384x128xf32, #tpu.memory_space<hbm>> -> memref<16384x128xf32, #tpu.memory_space<hbm>>
    tpu.enqueue_indirect_dma source(%dma_start3A_141 : memref<16384x128xf32, #tpu.memory_space<hbm>>) target(%dma_start3A_135 : memref<128x128xf32, #tpu.memory_space<vmem>>) offsets(%dma_start3A_138 : memref<128xi32, #tpu.memory_space<vmem>>) semaphore(%arg10 : memref<!tpu.dma_semaphore, #tpu.memory_space<semaphore_mem>>)
    %dma_start3A_142 = arith.constant 7 : i32
    %dma_start3A_143 = arith.constant 128 : i32
    %dma_start3A_144 = arith.constant 0 : i32
    %dma_start3A_145 = tpu.memref_slice %arg7[%dma_start3A_143, %dma_start3A_144] : memref<256x128xf32, #tpu.memory_space<vmem>> -> memref<128x128xf32, #tpu.memory_space<vmem>>
    %dma_start3A_146 = arith.constant 0 : i32
    %dma_start3A_147 = tpu.memref_slice %arg5[%dma_start3A_142, %dma_start3A_146] : memref<16x128xi32, #tpu.memory_space<vmem>> -> memref<1x128xi32, #tpu.memory_space<vmem>>
    %dma_start3A_148 = tpu.memref_squeeze %dma_start3A_147 : memref<1x128xi32, #tpu.memory_space<vmem>> -> memref<128xi32, #tpu.memory_space<vmem>>
    %dma_start3A_149 = arith.constant 0 : i32
    %dma_start3A_150 = arith.constant 0 : i32
    %dma_start3A_151 = tpu.memref_slice %arg2[%dma_start3A_149, %dma_start3A_150] : memref<16384x128xf32, #tpu.memory_space<hbm>> -> memref<16384x128xf32, #tpu.memory_space<hbm>>
    tpu.enqueue_indirect_dma source(%dma_start3A_151 : memref<16384x128xf32, #tpu.memory_space<hbm>>) target(%dma_start3A_145 : memref<128x128xf32, #tpu.memory_space<vmem>>) offsets(%dma_start3A_148 : memref<128xi32, #tpu.memory_space<vmem>>) semaphore(%arg10 : memref<!tpu.dma_semaphore, #tpu.memory_space<semaphore_mem>>)
    %scan3A_152 = arith.constant 0 : i32
    %scan3A_153 = arith.constant 0 : i32
    %scan3A_154 = arith.constant 64 : i32
    %scan3A_155 = arith.addi %scan3A_153, %scan3A_154 : i32
    %scan3A_156 = arith.constant 1 : i32
    scf.for %scan3A_370 = %scan3A_153 to %scan3A_155 step %scan3A_156  : i32 {
      %mul3A_371 = arith.constant 4 : i32
      %mul3A_372 = arith.muli %scan3A_370, %mul3A_371 : i32
      %get3A = arith.index_cast %mul3A_372 : i32 to index
      %get3A_373 = arith.constant 0 : index
      %get3A_374 = tpu.vector_load %arg6[%get3A, %get3A_373] {strides = array<i32>} : memref<256x128xf32, #tpu.memory_space<vmem>>, vector<1x16xf32>,
      %get3A_375 = vector.shape_cast %get3A_374 : vector<1x16xf32> to vector<16xf32>
      %add3A_376 = arith.constant 1 : i32
      %add3A_377 = arith.addi %mul3A_372, %add3A_376 : i32
      %get3A_378 = arith.index_cast %add3A_377 : i32 to index
      %get3A_379 = arith.constant 16 : index
      %get3A_380 = tpu.vector_load %arg6[%get3A_378, %get3A_379] {strides = array<i32>} : memref<256x128xf32, #tpu.memory_space<vmem>>, vector<1x16xf32>,
      %get3A_381 = vector.shape_cast %get3A_380 : vector<1x16xf32> to vector<16xf32>
      %add3A_382 = arith.addf %get3A_375, %get3A_381 : vector<16xf32>
      %add3A_383 = arith.constant 2 : i32
      %add3A_384 = arith.addi %mul3A_372, %add3A_383 : i32
      %get3A_385 = arith.index_cast %add3A_384 : i32 to index
      %get3A_386 = arith.constant 32 : index
      %get3A_387 = tpu.vector_load %arg6[%get3A_385, %get3A_386] {strides = array<i32>} : memref<256x128xf32, #tpu.memory_space<vmem>>, vector<1x16xf32>,
      %get3A_388 = vector.shape_cast %get3A_387 : vector<1x16xf32> to vector<16xf32>
      %add3A_389 = arith.constant 3 : i32
      %add3A_390 = arith.addi %mul3A_372, %add3A_389 : i32
      %get3A_391 = arith.index_cast %add3A_390 : i32 to index
      %get3A_392 = arith.constant 48 : index
      %get3A_393 = tpu.vector_load %arg6[%get3A_391, %get3A_392] {strides = array<i32>} : memref<256x128xf32, #tpu.memory_space<vmem>>, vector<1x16xf32>,
      %get3A_394 = vector.shape_cast %get3A_393 : vector<1x16xf32> to vector<16xf32>
      %add3A_395 = arith.addf %get3A_388, %get3A_394 : vector<16xf32>
      %add3A_396 = arith.addf %add3A_382, %add3A_395 : vector<16xf32>
      %add3A_397 = arith.constant 128 : i32
      %add3A_398 = arith.addi %add3A_397, %scan3A_370 : i32
      %swap3A = arith.index_cast %add3A_398 : i32 to index
      %swap3A_399 = arith.constant 0 : index
      %swap3A_400 = tpu.vector_load %arg8[%swap3A, %swap3A_399] {strides = array<i32>} : memref<512x16xf32, #tpu.memory_space<vmem>>, vector<1x16xf32>,
      %swap3A_401 = vector.shape_cast %swap3A_400 : vector<1x16xf32> to vector<16xf32>
      %swap3A_402 = vector.shape_cast %add3A_396 : vector<16xf32> to vector<1x16xf32>
      tpu.vector_store %arg8[%swap3A, %swap3A_399], %swap3A_402 {strides = array<i32>} : memref<512x16xf32, #tpu.memory_space<vmem>>, vector<1x16xf32>,
    }
    %scan3A_157 = arith.constant 64 : i32
    %dma_wait3A_158 = arith.constant 6 : i32
    %dma_wait3A_159 = arith.constant 0 : i32
    %dma_wait3A_160 = arith.constant 0 : i32
    %dma_wait3A_161 = tpu.memref_slice %arg7[%dma_wait3A_159, %dma_wait3A_160] : memref<256x128xf32, #tpu.memory_space<vmem>> -> memref<128x128xf32, #tpu.memory_space<vmem>>
    %dma_wait3A_162 = arith.constant 0 : i32
    %dma_wait3A_163 = tpu.memref_slice %arg5[%dma_wait3A_158, %dma_wait3A_162] : memref<16x128xi32, #tpu.memory_space<vmem>> -> memref<1x128xi32, #tpu.memory_space<vmem>>
    %dma_wait3A_164 = tpu.memref_squeeze %dma_wait3A_163 : memref<1x128xi32, #tpu.memory_space<vmem>> -> memref<128xi32, #tpu.memory_space<vmem>>
    %dma_wait3A_165 = arith.constant 0 : i32
    %dma_wait3A_166 = arith.constant 0 : i32
    %dma_wait3A_167 = tpu.memref_slice %arg2[%dma_wait3A_165, %dma_wait3A_166] : memref<16384x128xf32, #tpu.memory_space<hbm>> -> memref<16384x128xf32, #tpu.memory_space<hbm>>
    tpu.wait_indirect_dma semaphore(%arg10 : memref<!tpu.dma_semaphore, #tpu.memory_space<semaphore_mem>>) src(%dma_wait3A_167 : memref<16384x128xf32, #tpu.memory_space<hbm>>) dst(%dma_wait3A_161 : memref<128x128xf32, #tpu.memory_space<vmem>>)
    %dma_wait3A_168 = arith.constant 7 : i32
    %dma_wait3A_169 = arith.constant 128 : i32
    %dma_wait3A_170 = arith.constant 0 : i32
    %dma_wait3A_171 = tpu.memref_slice %arg7[%dma_wait3A_169, %dma_wait3A_170] : memref<256x128xf32, #tpu.memory_space<vmem>> -> memref<128x128xf32, #tpu.memory_space<vmem>>
    %dma_wait3A_172 = arith.constant 0 : i32
    %dma_wait3A_173 = tpu.memref_slice %arg5[%dma_wait3A_168, %dma_wait3A_172] : memref<16x128xi32, #tpu.memory_space<vmem>> -> memref<1x128xi32, #tpu.memory_space<vmem>>
    %dma_wait3A_174 = tpu.memref_squeeze %dma_wait3A_173 : memref<1x128xi32, #tpu.memory_space<vmem>> -> memref<128xi32, #tpu.memory_space<vmem>>
    %dma_wait3A_175 = arith.constant 0 : i32
    %dma_wait3A_176 = arith.constant 0 : i32
    %dma_wait3A_177 = tpu.memref_slice %arg2[%dma_wait3A_175, %dma_wait3A_176] : memref<16384x128xf32, #tpu.memory_space<hbm>> -> memref<16384x128xf32, #tpu.memory_space<hbm>>
    tpu.wait_indirect_dma semaphore(%arg10 : memref<!tpu.dma_semaphore, #tpu.memory_space<semaphore_mem>>) src(%dma_wait3A_177 : memref<16384x128xf32, #tpu.memory_space<hbm>>) dst(%dma_wait3A_171 : memref<128x128xf32, #tpu.memory_space<vmem>>)
    %dma_start3A_178 = arith.constant 8 : i32
    %dma_start3A_179 = arith.constant 0 : i32
    %dma_start3A_180 = arith.constant 0 : i32
    %dma_start3A_181 = tpu.memref_slice %arg6[%dma_start3A_179, %dma_start3A_180] : memref<256x128xf32, #tpu.memory_space<vmem>> -> memref<128x128xf32, #tpu.memory_space<vmem>>
    %dma_start3A_182 = arith.constant 0 : i32
    %dma_start3A_183 = tpu.memref_slice %arg5[%dma_start3A_178, %dma_start3A_182] : memref<16x128xi32, #tpu.memory_space<vmem>> -> memref<1x128xi32, #tpu.memory_space<vmem>>
    %dma_start3A_184 = tpu.memref_squeeze %dma_start3A_183 : memref<1x128xi32, #tpu.memory_space<vmem>> -> memref<128xi32, #tpu.memory_space<vmem>>
    %dma_start3A_185 = arith.constant 0 : i32
    %dma_start3A_186 = arith.constant 0 : i32
    %dma_start3A_187 = tpu.memref_slice %arg2[%dma_start3A_185, %dma_start3A_186] : memref<16384x128xf32, #tpu.memory_space<hbm>> -> memref<16384x128xf32, #tpu.memory_space<hbm>>
    tpu.enqueue_indirect_dma source(%dma_start3A_187 : memref<16384x128xf32, #tpu.memory_space<hbm>>) target(%dma_start3A_181 : memref<128x128xf32, #tpu.memory_space<vmem>>) offsets(%dma_start3A_184 : memref<128xi32, #tpu.memory_space<vmem>>) semaphore(%arg9 : memref<!tpu.dma_semaphore, #tpu.memory_space<semaphore_mem>>)
    %dma_start3A_188 = arith.constant 9 : i32
    %dma_start3A_189 = arith.constant 128 : i32
    %dma_start3A_190 = arith.constant 0 : i32
    %dma_start3A_191 = tpu.memref_slice %arg6[%dma_start3A_189, %dma_start3A_190] : memref<256x128xf32, #tpu.memory_space<vmem>> -> memref<128x128xf32, #tpu.memory_space<vmem>>
    %dma_start3A_192 = arith.constant 0 : i32
    %dma_start3A_193 = tpu.memref_slice %arg5[%dma_start3A_188, %dma_start3A_192] : memref<16x128xi32, #tpu.memory_space<vmem>> -> memref<1x128xi32, #tpu.memory_space<vmem>>
    %dma_start3A_194 = tpu.memref_squeeze %dma_start3A_193 : memref<1x128xi32, #tpu.memory_space<vmem>> -> memref<128xi32, #tpu.memory_space<vmem>>
    %dma_start3A_195 = arith.constant 0 : i32
    %dma_start3A_196 = arith.constant 0 : i32
    %dma_start3A_197 = tpu.memref_slice %arg2[%dma_start3A_195, %dma_start3A_196] : memref<16384x128xf32, #tpu.memory_space<hbm>> -> memref<16384x128xf32, #tpu.memory_space<hbm>>
    tpu.enqueue_indirect_dma source(%dma_start3A_197 : memref<16384x128xf32, #tpu.memory_space<hbm>>) target(%dma_start3A_191 : memref<128x128xf32, #tpu.memory_space<vmem>>) offsets(%dma_start3A_194 : memref<128xi32, #tpu.memory_space<vmem>>) semaphore(%arg9 : memref<!tpu.dma_semaphore, #tpu.memory_space<semaphore_mem>>)
    %scan3A_198 = arith.constant 0 : i32
    %scan3A_199 = arith.constant 0 : i32
    %scan3A_200 = arith.constant 64 : i32
    %scan3A_201 = arith.addi %scan3A_199, %scan3A_200 : i32
    %scan3A_202 = arith.constant 1 : i32
    scf.for %scan3A_370 = %scan3A_199 to %scan3A_201 step %scan3A_202  : i32 {
      %mul3A_371 = arith.constant 4 : i32
      %mul3A_372 = arith.muli %scan3A_370, %mul3A_371 : i32
      %get3A = arith.index_cast %mul3A_372 : i32 to index
      %get3A_373 = arith.constant 0 : index
      %get3A_374 = tpu.vector_load %arg7[%get3A, %get3A_373] {strides = array<i32>} : memref<256x128xf32, #tpu.memory_space<vmem>>, vector<1x16xf32>,
      %get3A_375 = vector.shape_cast %get3A_374 : vector<1x16xf32> to vector<16xf32>
      %add3A_376 = arith.constant 1 : i32
      %add3A_377 = arith.addi %mul3A_372, %add3A_376 : i32
      %get3A_378 = arith.index_cast %add3A_377 : i32 to index
      %get3A_379 = arith.constant 16 : index
      %get3A_380 = tpu.vector_load %arg7[%get3A_378, %get3A_379] {strides = array<i32>} : memref<256x128xf32, #tpu.memory_space<vmem>>, vector<1x16xf32>,
      %get3A_381 = vector.shape_cast %get3A_380 : vector<1x16xf32> to vector<16xf32>
      %add3A_382 = arith.addf %get3A_375, %get3A_381 : vector<16xf32>
      %add3A_383 = arith.constant 2 : i32
      %add3A_384 = arith.addi %mul3A_372, %add3A_383 : i32
      %get3A_385 = arith.index_cast %add3A_384 : i32 to index
      %get3A_386 = arith.constant 32 : index
      %get3A_387 = tpu.vector_load %arg7[%get3A_385, %get3A_386] {strides = array<i32>} : memref<256x128xf32, #tpu.memory_space<vmem>>, vector<1x16xf32>,
      %get3A_388 = vector.shape_cast %get3A_387 : vector<1x16xf32> to vector<16xf32>
      %add3A_389 = arith.constant 3 : i32
      %add3A_390 = arith.addi %mul3A_372, %add3A_389 : i32
      %get3A_391 = arith.index_cast %add3A_390 : i32 to index
      %get3A_392 = arith.constant 48 : index
      %get3A_393 = tpu.vector_load %arg7[%get3A_391, %get3A_392] {strides = array<i32>} : memref<256x128xf32, #tpu.memory_space<vmem>>, vector<1x16xf32>,
      %get3A_394 = vector.shape_cast %get3A_393 : vector<1x16xf32> to vector<16xf32>
      %add3A_395 = arith.addf %get3A_388, %get3A_394 : vector<16xf32>
      %add3A_396 = arith.addf %add3A_382, %add3A_395 : vector<16xf32>
      %add3A_397 = arith.constant 192 : i32
      %add3A_398 = arith.addi %add3A_397, %scan3A_370 : i32
      %swap3A = arith.index_cast %add3A_398 : i32 to index
      %swap3A_399 = arith.constant 0 : index
      %swap3A_400 = tpu.vector_load %arg8[%swap3A, %swap3A_399] {strides = array<i32>} : memref<512x16xf32, #tpu.memory_space<vmem>>, vector<1x16xf32>,
      %swap3A_401 = vector.shape_cast %swap3A_400 : vector<1x16xf32> to vector<16xf32>
      %swap3A_402 = vector.shape_cast %add3A_396 : vector<16xf32> to vector<1x16xf32>
      tpu.vector_store %arg8[%swap3A, %swap3A_399], %swap3A_402 {strides = array<i32>} : memref<512x16xf32, #tpu.memory_space<vmem>>, vector<1x16xf32>,
    }
    %scan3A_203 = arith.constant 64 : i32
    %dma_wait3A_204 = arith.constant 8 : i32
    %dma_wait3A_205 = arith.constant 0 : i32
    %dma_wait3A_206 = arith.constant 0 : i32
    %dma_wait3A_207 = tpu.memref_slice %arg6[%dma_wait3A_205, %dma_wait3A_206] : memref<256x128xf32, #tpu.memory_space<vmem>> -> memref<128x128xf32, #tpu.memory_space<vmem>>
    %dma_wait3A_208 = arith.constant 0 : i32
    %dma_wait3A_209 = tpu.memref_slice %arg5[%dma_wait3A_204, %dma_wait3A_208] : memref<16x128xi32, #tpu.memory_space<vmem>> -> memref<1x128xi32, #tpu.memory_space<vmem>>
    %dma_wait3A_210 = tpu.memref_squeeze %dma_wait3A_209 : memref<1x128xi32, #tpu.memory_space<vmem>> -> memref<128xi32, #tpu.memory_space<vmem>>
    %dma_wait3A_211 = arith.constant 0 : i32
    %dma_wait3A_212 = arith.constant 0 : i32
    %dma_wait3A_213 = tpu.memref_slice %arg2[%dma_wait3A_211, %dma_wait3A_212] : memref<16384x128xf32, #tpu.memory_space<hbm>> -> memref<16384x128xf32, #tpu.memory_space<hbm>>
    tpu.wait_indirect_dma semaphore(%arg9 : memref<!tpu.dma_semaphore, #tpu.memory_space<semaphore_mem>>) src(%dma_wait3A_213 : memref<16384x128xf32, #tpu.memory_space<hbm>>) dst(%dma_wait3A_207 : memref<128x128xf32, #tpu.memory_space<vmem>>)
    %dma_wait3A_214 = arith.constant 9 : i32
    %dma_wait3A_215 = arith.constant 128 : i32
    %dma_wait3A_216 = arith.constant 0 : i32
    %dma_wait3A_217 = tpu.memref_slice %arg6[%dma_wait3A_215, %dma_wait3A_216] : memref<256x128xf32, #tpu.memory_space<vmem>> -> memref<128x128xf32, #tpu.memory_space<vmem>>
    %dma_wait3A_218 = arith.constant 0 : i32
    %dma_wait3A_219 = tpu.memref_slice %arg5[%dma_wait3A_214, %dma_wait3A_218] : memref<16x128xi32, #tpu.memory_space<vmem>> -> memref<1x128xi32, #tpu.memory_space<vmem>>
    %dma_wait3A_220 = tpu.memref_squeeze %dma_wait3A_219 : memref<1x128xi32, #tpu.memory_space<vmem>> -> memref<128xi32, #tpu.memory_space<vmem>>
    %dma_wait3A_221 = arith.constant 0 : i32
    %dma_wait3A_222 = arith.constant 0 : i32
    %dma_wait3A_223 = tpu.memref_slice %arg2[%dma_wait3A_221, %dma_wait3A_222] : memref<16384x128xf32, #tpu.memory_space<hbm>> -> memref<16384x128xf32, #tpu.memory_space<hbm>>
    tpu.wait_indirect_dma semaphore(%arg9 : memref<!tpu.dma_semaphore, #tpu.memory_space<semaphore_mem>>) src(%dma_wait3A_223 : memref<16384x128xf32, #tpu.memory_space<hbm>>) dst(%dma_wait3A_217 : memref<128x128xf32, #tpu.memory_space<vmem>>)
    %dma_start3A_224 = arith.constant 10 : i32
    %dma_start3A_225 = arith.constant 0 : i32
    %dma_start3A_226 = arith.constant 0 : i32
    %dma_start3A_227 = tpu.memref_slice %arg7[%dma_start3A_225, %dma_start3A_226] : memref<256x128xf32, #tpu.memory_space<vmem>> -> memref<128x128xf32, #tpu.memory_space<vmem>>
    %dma_start3A_228 = arith.constant 0 : i32
    %dma_start3A_229 = tpu.memref_slice %arg5[%dma_start3A_224, %dma_start3A_228] : memref<16x128xi32, #tpu.memory_space<vmem>> -> memref<1x128xi32, #tpu.memory_space<vmem>>
    %dma_start3A_230 = tpu.memref_squeeze %dma_start3A_229 : memref<1x128xi32, #tpu.memory_space<vmem>> -> memref<128xi32, #tpu.memory_space<vmem>>
    %dma_start3A_231 = arith.constant 0 : i32
    %dma_start3A_232 = arith.constant 0 : i32
    %dma_start3A_233 = tpu.memref_slice %arg2[%dma_start3A_231, %dma_start3A_232] : memref<16384x128xf32, #tpu.memory_space<hbm>> -> memref<16384x128xf32, #tpu.memory_space<hbm>>
    tpu.enqueue_indirect_dma source(%dma_start3A_233 : memref<16384x128xf32, #tpu.memory_space<hbm>>) target(%dma_start3A_227 : memref<128x128xf32, #tpu.memory_space<vmem>>) offsets(%dma_start3A_230 : memref<128xi32, #tpu.memory_space<vmem>>) semaphore(%arg10 : memref<!tpu.dma_semaphore, #tpu.memory_space<semaphore_mem>>)
    %dma_start3A_234 = arith.constant 11 : i32
    %dma_start3A_235 = arith.constant 128 : i32
    %dma_start3A_236 = arith.constant 0 : i32
    %dma_start3A_237 = tpu.memref_slice %arg7[%dma_start3A_235, %dma_start3A_236] : memref<256x128xf32, #tpu.memory_space<vmem>> -> memref<128x128xf32, #tpu.memory_space<vmem>>
    %dma_start3A_238 = arith.constant 0 : i32
    %dma_start3A_239 = tpu.memref_slice %arg5[%dma_start3A_234, %dma_start3A_238] : memref<16x128xi32, #tpu.memory_space<vmem>> -> memref<1x128xi32, #tpu.memory_space<vmem>>
    %dma_start3A_240 = tpu.memref_squeeze %dma_start3A_239 : memref<1x128xi32, #tpu.memory_space<vmem>> -> memref<128xi32, #tpu.memory_space<vmem>>
    %dma_start3A_241 = arith.constant 0 : i32
    %dma_start3A_242 = arith.constant 0 : i32
    %dma_start3A_243 = tpu.memref_slice %arg2[%dma_start3A_241, %dma_start3A_242] : memref<16384x128xf32, #tpu.memory_space<hbm>> -> memref<16384x128xf32, #tpu.memory_space<hbm>>
    tpu.enqueue_indirect_dma source(%dma_start3A_243 : memref<16384x128xf32, #tpu.memory_space<hbm>>) target(%dma_start3A_237 : memref<128x128xf32, #tpu.memory_space<vmem>>) offsets(%dma_start3A_240 : memref<128xi32, #tpu.memory_space<vmem>>) semaphore(%arg10 : memref<!tpu.dma_semaphore, #tpu.memory_space<semaphore_mem>>)
    %scan3A_244 = arith.constant 0 : i32
    %scan3A_245 = arith.constant 0 : i32
    %scan3A_246 = arith.constant 64 : i32
    %scan3A_247 = arith.addi %scan3A_245, %scan3A_246 : i32
    %scan3A_248 = arith.constant 1 : i32
    scf.for %scan3A_370 = %scan3A_245 to %scan3A_247 step %scan3A_248  : i32 {
      %mul3A_371 = arith.constant 4 : i32
      %mul3A_372 = arith.muli %scan3A_370, %mul3A_371 : i32
      %get3A = arith.index_cast %mul3A_372 : i32 to index
      %get3A_373 = arith.constant 0 : index
      %get3A_374 = tpu.vector_load %arg6[%get3A, %get3A_373] {strides = array<i32>} : memref<256x128xf32, #tpu.memory_space<vmem>>, vector<1x16xf32>,
      %get3A_375 = vector.shape_cast %get3A_374 : vector<1x16xf32> to vector<16xf32>
      %add3A_376 = arith.constant 1 : i32
      %add3A_377 = arith.addi %mul3A_372, %add3A_376 : i32
      %get3A_378 = arith.index_cast %add3A_377 : i32 to index
      %get3A_379 = arith.constant 16 : index
      %get3A_380 = tpu.vector_load %arg6[%get3A_378, %get3A_379] {strides = array<i32>} : memref<256x128xf32, #tpu.memory_space<vmem>>, vector<1x16xf32>,
      %get3A_381 = vector.shape_cast %get3A_380 : vector<1x16xf32> to vector<16xf32>
      %add3A_382 = arith.addf %get3A_375, %get3A_381 : vector<16xf32>
      %add3A_383 = arith.constant 2 : i32
      %add3A_384 = arith.addi %mul3A_372, %add3A_383 : i32
      %get3A_385 = arith.index_cast %add3A_384 : i32 to index
      %get3A_386 = arith.constant 32 : index
      %get3A_387 = tpu.vector_load %arg6[%get3A_385, %get3A_386] {strides = array<i32>} : memref<256x128xf32, #tpu.memory_space<vmem>>, vector<1x16xf32>,
      %get3A_388 = vector.shape_cast %get3A_387 : vector<1x16xf32> to vector<16xf32>
      %add3A_389 = arith.constant 3 : i32
      %add3A_390 = arith.addi %mul3A_372, %add3A_389 : i32
      %get3A_391 = arith.index_cast %add3A_390 : i32 to index
      %get3A_392 = arith.constant 48 : index
      %get3A_393 = tpu.vector_load %arg6[%get3A_391, %get3A_392] {strides = array<i32>} : memref<256x128xf32, #tpu.memory_space<vmem>>, vector<1x16xf32>,
      %get3A_394 = vector.shape_cast %get3A_393 : vector<1x16xf32> to vector<16xf32>
      %add3A_395 = arith.addf %get3A_388, %get3A_394 : vector<16xf32>
      %add3A_396 = arith.addf %add3A_382, %add3A_395 : vector<16xf32>
      %add3A_397 = arith.constant 256 : i32
      %add3A_398 = arith.addi %add3A_397, %scan3A_370 : i32
      %swap3A = arith.index_cast %add3A_398 : i32 to index
      %swap3A_399 = arith.constant 0 : index
      %swap3A_400 = tpu.vector_load %arg8[%swap3A, %swap3A_399] {strides = array<i32>} : memref<512x16xf32, #tpu.memory_space<vmem>>, vector<1x16xf32>,
      %swap3A_401 = vector.shape_cast %swap3A_400 : vector<1x16xf32> to vector<16xf32>
      %swap3A_402 = vector.shape_cast %add3A_396 : vector<16xf32> to vector<1x16xf32>
      tpu.vector_store %arg8[%swap3A, %swap3A_399], %swap3A_402 {strides = array<i32>} : memref<512x16xf32, #tpu.memory_space<vmem>>, vector<1x16xf32>,
    }
    %scan3A_249 = arith.constant 64 : i32
    %dma_wait3A_250 = arith.constant 10 : i32
    %dma_wait3A_251 = arith.constant 0 : i32
    %dma_wait3A_252 = arith.constant 0 : i32
    %dma_wait3A_253 = tpu.memref_slice %arg7[%dma_wait3A_251, %dma_wait3A_252] : memref<256x128xf32, #tpu.memory_space<vmem>> -> memref<128x128xf32, #tpu.memory_space<vmem>>
    %dma_wait3A_254 = arith.constant 0 : i32
    %dma_wait3A_255 = tpu.memref_slice %arg5[%dma_wait3A_250, %dma_wait3A_254] : memref<16x128xi32, #tpu.memory_space<vmem>> -> memref<1x128xi32, #tpu.memory_space<vmem>>
    %dma_wait3A_256 = tpu.memref_squeeze %dma_wait3A_255 : memref<1x128xi32, #tpu.memory_space<vmem>> -> memref<128xi32, #tpu.memory_space<vmem>>
    %dma_wait3A_257 = arith.constant 0 : i32
    %dma_wait3A_258 = arith.constant 0 : i32
    %dma_wait3A_259 = tpu.memref_slice %arg2[%dma_wait3A_257, %dma_wait3A_258] : memref<16384x128xf32, #tpu.memory_space<hbm>> -> memref<16384x128xf32, #tpu.memory_space<hbm>>
    tpu.wait_indirect_dma semaphore(%arg10 : memref<!tpu.dma_semaphore, #tpu.memory_space<semaphore_mem>>) src(%dma_wait3A_259 : memref<16384x128xf32, #tpu.memory_space<hbm>>) dst(%dma_wait3A_253 : memref<128x128xf32, #tpu.memory_space<vmem>>)
    %dma_wait3A_260 = arith.constant 11 : i32
    %dma_wait3A_261 = arith.constant 128 : i32
    %dma_wait3A_262 = arith.constant 0 : i32
    %dma_wait3A_263 = tpu.memref_slice %arg7[%dma_wait3A_261, %dma_wait3A_262] : memref<256x128xf32, #tpu.memory_space<vmem>> -> memref<128x128xf32, #tpu.memory_space<vmem>>
    %dma_wait3A_264 = arith.constant 0 : i32
    %dma_wait3A_265 = tpu.memref_slice %arg5[%dma_wait3A_260, %dma_wait3A_264] : memref<16x128xi32, #tpu.memory_space<vmem>> -> memref<1x128xi32, #tpu.memory_space<vmem>>
    %dma_wait3A_266 = tpu.memref_squeeze %dma_wait3A_265 : memref<1x128xi32, #tpu.memory_space<vmem>> -> memref<128xi32, #tpu.memory_space<vmem>>
    %dma_wait3A_267 = arith.constant 0 : i32
    %dma_wait3A_268 = arith.constant 0 : i32
    %dma_wait3A_269 = tpu.memref_slice %arg2[%dma_wait3A_267, %dma_wait3A_268] : memref<16384x128xf32, #tpu.memory_space<hbm>> -> memref<16384x128xf32, #tpu.memory_space<hbm>>
    tpu.wait_indirect_dma semaphore(%arg10 : memref<!tpu.dma_semaphore, #tpu.memory_space<semaphore_mem>>) src(%dma_wait3A_269 : memref<16384x128xf32, #tpu.memory_space<hbm>>) dst(%dma_wait3A_263 : memref<128x128xf32, #tpu.memory_space<vmem>>)
    %dma_start3A_270 = arith.constant 12 : i32
    %dma_start3A_271 = arith.constant 0 : i32
    %dma_start3A_272 = arith.constant 0 : i32
    %dma_start3A_273 = tpu.memref_slice %arg6[%dma_start3A_271, %dma_start3A_272] : memref<256x128xf32, #tpu.memory_space<vmem>> -> memref<128x128xf32, #tpu.memory_space<vmem>>
    %dma_start3A_274 = arith.constant 0 : i32
    %dma_start3A_275 = tpu.memref_slice %arg5[%dma_start3A_270, %dma_start3A_274] : memref<16x128xi32, #tpu.memory_space<vmem>> -> memref<1x128xi32, #tpu.memory_space<vmem>>
    %dma_start3A_276 = tpu.memref_squeeze %dma_start3A_275 : memref<1x128xi32, #tpu.memory_space<vmem>> -> memref<128xi32, #tpu.memory_space<vmem>>
    %dma_start3A_277 = arith.constant 0 : i32
    %dma_start3A_278 = arith.constant 0 : i32
    %dma_start3A_279 = tpu.memref_slice %arg2[%dma_start3A_277, %dma_start3A_278] : memref<16384x128xf32, #tpu.memory_space<hbm>> -> memref<16384x128xf32, #tpu.memory_space<hbm>>
    tpu.enqueue_indirect_dma source(%dma_start3A_279 : memref<16384x128xf32, #tpu.memory_space<hbm>>) target(%dma_start3A_273 : memref<128x128xf32, #tpu.memory_space<vmem>>) offsets(%dma_start3A_276 : memref<128xi32, #tpu.memory_space<vmem>>) semaphore(%arg9 : memref<!tpu.dma_semaphore, #tpu.memory_space<semaphore_mem>>)
    %dma_start3A_280 = arith.constant 13 : i32
    %dma_start3A_281 = arith.constant 128 : i32
    %dma_start3A_282 = arith.constant 0 : i32
    %dma_start3A_283 = tpu.memref_slice %arg6[%dma_start3A_281, %dma_start3A_282] : memref<256x128xf32, #tpu.memory_space<vmem>> -> memref<128x128xf32, #tpu.memory_space<vmem>>
    %dma_start3A_284 = arith.constant 0 : i32
    %dma_start3A_285 = tpu.memref_slice %arg5[%dma_start3A_280, %dma_start3A_284] : memref<16x128xi32, #tpu.memory_space<vmem>> -> memref<1x128xi32, #tpu.memory_space<vmem>>
    %dma_start3A_286 = tpu.memref_squeeze %dma_start3A_285 : memref<1x128xi32, #tpu.memory_space<vmem>> -> memref<128xi32, #tpu.memory_space<vmem>>
    %dma_start3A_287 = arith.constant 0 : i32
    %dma_start3A_288 = arith.constant 0 : i32
    %dma_start3A_289 = tpu.memref_slice %arg2[%dma_start3A_287, %dma_start3A_288] : memref<16384x128xf32, #tpu.memory_space<hbm>> -> memref<16384x128xf32, #tpu.memory_space<hbm>>
    tpu.enqueue_indirect_dma source(%dma_start3A_289 : memref<16384x128xf32, #tpu.memory_space<hbm>>) target(%dma_start3A_283 : memref<128x128xf32, #tpu.memory_space<vmem>>) offsets(%dma_start3A_286 : memref<128xi32, #tpu.memory_space<vmem>>) semaphore(%arg9 : memref<!tpu.dma_semaphore, #tpu.memory_space<semaphore_mem>>)
    %scan3A_290 = arith.constant 0 : i32
    %scan3A_291 = arith.constant 0 : i32
    %scan3A_292 = arith.constant 64 : i32
    %scan3A_293 = arith.addi %scan3A_291, %scan3A_292 : i32
    %scan3A_294 = arith.constant 1 : i32
    scf.for %scan3A_370 = %scan3A_291 to %scan3A_293 step %scan3A_294  : i32 {
      %mul3A_371 = arith.constant 4 : i32
      %mul3A_372 = arith.muli %scan3A_370, %mul3A_371 : i32
      %get3A = arith.index_cast %mul3A_372 : i32 to index
      %get3A_373 = arith.constant 0 : index
      %get3A_374 = tpu.vector_load %arg7[%get3A, %get3A_373] {strides = array<i32>} : memref<256x128xf32, #tpu.memory_space<vmem>>, vector<1x16xf32>,
      %get3A_375 = vector.shape_cast %get3A_374 : vector<1x16xf32> to vector<16xf32>
      %add3A_376 = arith.constant 1 : i32
      %add3A_377 = arith.addi %mul3A_372, %add3A_376 : i32
      %get3A_378 = arith.index_cast %add3A_377 : i32 to index
      %get3A_379 = arith.constant 16 : index
      %get3A_380 = tpu.vector_load %arg7[%get3A_378, %get3A_379] {strides = array<i32>} : memref<256x128xf32, #tpu.memory_space<vmem>>, vector<1x16xf32>,
      %get3A_381 = vector.shape_cast %get3A_380 : vector<1x16xf32> to vector<16xf32>
      %add3A_382 = arith.addf %get3A_375, %get3A_381 : vector<16xf32>
      %add3A_383 = arith.constant 2 : i32
      %add3A_384 = arith.addi %mul3A_372, %add3A_383 : i32
      %get3A_385 = arith.index_cast %add3A_384 : i32 to index
      %get3A_386 = arith.constant 32 : index
      %get3A_387 = tpu.vector_load %arg7[%get3A_385, %get3A_386] {strides = array<i32>} : memref<256x128xf32, #tpu.memory_space<vmem>>, vector<1x16xf32>,
      %get3A_388 = vector.shape_cast %get3A_387 : vector<1x16xf32> to vector<16xf32>
      %add3A_389 = arith.constant 3 : i32
      %add3A_390 = arith.addi %mul3A_372, %add3A_389 : i32
      %get3A_391 = arith.index_cast %add3A_390 : i32 to index
      %get3A_392 = arith.constant 48 : index
      %get3A_393 = tpu.vector_load %arg7[%get3A_391, %get3A_392] {strides = array<i32>} : memref<256x128xf32, #tpu.memory_space<vmem>>, vector<1x16xf32>,
      %get3A_394 = vector.shape_cast %get3A_393 : vector<1x16xf32> to vector<16xf32>
      %add3A_395 = arith.addf %get3A_388, %get3A_394 : vector<16xf32>
      %add3A_396 = arith.addf %add3A_382, %add3A_395 : vector<16xf32>
      %add3A_397 = arith.constant 320 : i32
      %add3A_398 = arith.addi %add3A_397, %scan3A_370 : i32
      %swap3A = arith.index_cast %add3A_398 : i32 to index
      %swap3A_399 = arith.constant 0 : index
      %swap3A_400 = tpu.vector_load %arg8[%swap3A, %swap3A_399] {strides = array<i32>} : memref<512x16xf32, #tpu.memory_space<vmem>>, vector<1x16xf32>,
      %swap3A_401 = vector.shape_cast %swap3A_400 : vector<1x16xf32> to vector<16xf32>
      %swap3A_402 = vector.shape_cast %add3A_396 : vector<16xf32> to vector<1x16xf32>
      tpu.vector_store %arg8[%swap3A, %swap3A_399], %swap3A_402 {strides = array<i32>} : memref<512x16xf32, #tpu.memory_space<vmem>>, vector<1x16xf32>,
    }
    %scan3A_295 = arith.constant 64 : i32
    %dma_wait3A_296 = arith.constant 12 : i32
    %dma_wait3A_297 = arith.constant 0 : i32
    %dma_wait3A_298 = arith.constant 0 : i32
    %dma_wait3A_299 = tpu.memref_slice %arg6[%dma_wait3A_297, %dma_wait3A_298] : memref<256x128xf32, #tpu.memory_space<vmem>> -> memref<128x128xf32, #tpu.memory_space<vmem>>
    %dma_wait3A_300 = arith.constant 0 : i32
    %dma_wait3A_301 = tpu.memref_slice %arg5[%dma_wait3A_296, %dma_wait3A_300] : memref<16x128xi32, #tpu.memory_space<vmem>> -> memref<1x128xi32, #tpu.memory_space<vmem>>
    %dma_wait3A_302 = tpu.memref_squeeze %dma_wait3A_301 : memref<1x128xi32, #tpu.memory_space<vmem>> -> memref<128xi32, #tpu.memory_space<vmem>>
    %dma_wait3A_303 = arith.constant 0 : i32
    %dma_wait3A_304 = arith.constant 0 : i32
    %dma_wait3A_305 = tpu.memref_slice %arg2[%dma_wait3A_303, %dma_wait3A_304] : memref<16384x128xf32, #tpu.memory_space<hbm>> -> memref<16384x128xf32, #tpu.memory_space<hbm>>
    tpu.wait_indirect_dma semaphore(%arg9 : memref<!tpu.dma_semaphore, #tpu.memory_space<semaphore_mem>>) src(%dma_wait3A_305 : memref<16384x128xf32, #tpu.memory_space<hbm>>) dst(%dma_wait3A_299 : memref<128x128xf32, #tpu.memory_space<vmem>>)
    %dma_wait3A_306 = arith.constant 13 : i32
    %dma_wait3A_307 = arith.constant 128 : i32
    %dma_wait3A_308 = arith.constant 0 : i32
    %dma_wait3A_309 = tpu.memref_slice %arg6[%dma_wait3A_307, %dma_wait3A_308] : memref<256x128xf32, #tpu.memory_space<vmem>> -> memref<128x128xf32, #tpu.memory_space<vmem>>
    %dma_wait3A_310 = arith.constant 0 : i32
    %dma_wait3A_311 = tpu.memref_slice %arg5[%dma_wait3A_306, %dma_wait3A_310] : memref<16x128xi32, #tpu.memory_space<vmem>> -> memref<1x128xi32, #tpu.memory_space<vmem>>
    %dma_wait3A_312 = tpu.memref_squeeze %dma_wait3A_311 : memref<1x128xi32, #tpu.memory_space<vmem>> -> memref<128xi32, #tpu.memory_space<vmem>>
    %dma_wait3A_313 = arith.constant 0 : i32
    %dma_wait3A_314 = arith.constant 0 : i32
    %dma_wait3A_315 = tpu.memref_slice %arg2[%dma_wait3A_313, %dma_wait3A_314] : memref<16384x128xf32, #tpu.memory_space<hbm>> -> memref<16384x128xf32, #tpu.memory_space<hbm>>
    tpu.wait_indirect_dma semaphore(%arg9 : memref<!tpu.dma_semaphore, #tpu.memory_space<semaphore_mem>>) src(%dma_wait3A_315 : memref<16384x128xf32, #tpu.memory_space<hbm>>) dst(%dma_wait3A_309 : memref<128x128xf32, #tpu.memory_space<vmem>>)
    %dma_start3A_316 = arith.constant 14 : i32
    %dma_start3A_317 = arith.constant 0 : i32
    %dma_start3A_318 = arith.constant 0 : i32
    %dma_start3A_319 = tpu.memref_slice %arg7[%dma_start3A_317, %dma_start3A_318] : memref<256x128xf32, #tpu.memory_space<vmem>> -> memref<128x128xf32, #tpu.memory_space<vmem>>
    %dma_start3A_320 = arith.constant 0 : i32
    %dma_start3A_321 = tpu.memref_slice %arg5[%dma_start3A_316, %dma_start3A_320] : memref<16x128xi32, #tpu.memory_space<vmem>> -> memref<1x128xi32, #tpu.memory_space<vmem>>
    %dma_start3A_322 = tpu.memref_squeeze %dma_start3A_321 : memref<1x128xi32, #tpu.memory_space<vmem>> -> memref<128xi32, #tpu.memory_space<vmem>>
    %dma_start3A_323 = arith.constant 0 : i32
    %dma_start3A_324 = arith.constant 0 : i32
    %dma_start3A_325 = tpu.memref_slice %arg2[%dma_start3A_323, %dma_start3A_324] : memref<16384x128xf32, #tpu.memory_space<hbm>> -> memref<16384x128xf32, #tpu.memory_space<hbm>>
    tpu.enqueue_indirect_dma source(%dma_start3A_325 : memref<16384x128xf32, #tpu.memory_space<hbm>>) target(%dma_start3A_319 : memref<128x128xf32, #tpu.memory_space<vmem>>) offsets(%dma_start3A_322 : memref<128xi32, #tpu.memory_space<vmem>>) semaphore(%arg10 : memref<!tpu.dma_semaphore, #tpu.memory_space<semaphore_mem>>)
    %dma_start3A_326 = arith.constant 15 : i32
    %dma_start3A_327 = arith.constant 128 : i32
    %dma_start3A_328 = arith.constant 0 : i32
    %dma_start3A_329 = tpu.memref_slice %arg7[%dma_start3A_327, %dma_start3A_328] : memref<256x128xf32, #tpu.memory_space<vmem>> -> memref<128x128xf32, #tpu.memory_space<vmem>>
    %dma_start3A_330 = arith.constant 0 : i32
    %dma_start3A_331 = tpu.memref_slice %arg5[%dma_start3A_326, %dma_start3A_330] : memref<16x128xi32, #tpu.memory_space<vmem>> -> memref<1x128xi32, #tpu.memory_space<vmem>>
    %dma_start3A_332 = tpu.memref_squeeze %dma_start3A_331 : memref<1x128xi32, #tpu.memory_space<vmem>> -> memref<128xi32, #tpu.memory_space<vmem>>
    %dma_start3A_333 = arith.constant 0 : i32
    %dma_start3A_334 = arith.constant 0 : i32
    %dma_start3A_335 = tpu.memref_slice %arg2[%dma_start3A_333, %dma_start3A_334] : memref<16384x128xf32, #tpu.memory_space<hbm>> -> memref<16384x128xf32, #tpu.memory_space<hbm>>
    tpu.enqueue_indirect_dma source(%dma_start3A_335 : memref<16384x128xf32, #tpu.memory_space<hbm>>) target(%dma_start3A_329 : memref<128x128xf32, #tpu.memory_space<vmem>>) offsets(%dma_start3A_332 : memref<128xi32, #tpu.memory_space<vmem>>) semaphore(%arg10 : memref<!tpu.dma_semaphore, #tpu.memory_space<semaphore_mem>>)
    %scan3A_336 = arith.constant 0 : i32
    %scan3A_337 = arith.constant 0 : i32
    %scan3A_338 = arith.constant 64 : i32
    %scan3A_339 = arith.addi %scan3A_337, %scan3A_338 : i32
    %scan3A_340 = arith.constant 1 : i32
    scf.for %scan3A_370 = %scan3A_337 to %scan3A_339 step %scan3A_340  : i32 {
      %mul3A_371 = arith.constant 4 : i32
      %mul3A_372 = arith.muli %scan3A_370, %mul3A_371 : i32
      %get3A = arith.index_cast %mul3A_372 : i32 to index
      %get3A_373 = arith.constant 0 : index
      %get3A_374 = tpu.vector_load %arg6[%get3A, %get3A_373] {strides = array<i32>} : memref<256x128xf32, #tpu.memory_space<vmem>>, vector<1x16xf32>,
      %get3A_375 = vector.shape_cast %get3A_374 : vector<1x16xf32> to vector<16xf32>
      %add3A_376 = arith.constant 1 : i32
      %add3A_377 = arith.addi %mul3A_372, %add3A_376 : i32
      %get3A_378 = arith.index_cast %add3A_377 : i32 to index
      %get3A_379 = arith.constant 16 : index
      %get3A_380 = tpu.vector_load %arg6[%get3A_378, %get3A_379] {strides = array<i32>} : memref<256x128xf32, #tpu.memory_space<vmem>>, vector<1x16xf32>,
      %get3A_381 = vector.shape_cast %get3A_380 : vector<1x16xf32> to vector<16xf32>
      %add3A_382 = arith.addf %get3A_375, %get3A_381 : vector<16xf32>
      %add3A_383 = arith.constant 2 : i32
      %add3A_384 = arith.addi %mul3A_372, %add3A_383 : i32
      %get3A_385 = arith.index_cast %add3A_384 : i32 to index
      %get3A_386 = arith.constant 32 : index
      %get3A_387 = tpu.vector_load %arg6[%get3A_385, %get3A_386] {strides = array<i32>} : memref<256x128xf32, #tpu.memory_space<vmem>>, vector<1x16xf32>,
      %get3A_388 = vector.shape_cast %get3A_387 : vector<1x16xf32> to vector<16xf32>
      %add3A_389 = arith.constant 3 : i32
      %add3A_390 = arith.addi %mul3A_372, %add3A_389 : i32
      %get3A_391 = arith.index_cast %add3A_390 : i32 to index
      %get3A_392 = arith.constant 48 : index
      %get3A_393 = tpu.vector_load %arg6[%get3A_391, %get3A_392] {strides = array<i32>} : memref<256x128xf32, #tpu.memory_space<vmem>>, vector<1x16xf32>,
      %get3A_394 = vector.shape_cast %get3A_393 : vector<1x16xf32> to vector<16xf32>
      %add3A_395 = arith.addf %get3A_388, %get3A_394 : vector<16xf32>
      %add3A_396 = arith.addf %add3A_382, %add3A_395 : vector<16xf32>
      %add3A_397 = arith.constant 384 : i32
      %add3A_398 = arith.addi %add3A_397, %scan3A_370 : i32
      %swap3A = arith.index_cast %add3A_398 : i32 to index
      %swap3A_399 = arith.constant 0 : index
      %swap3A_400 = tpu.vector_load %arg8[%swap3A, %swap3A_399] {strides = array<i32>} : memref<512x16xf32, #tpu.memory_space<vmem>>, vector<1x16xf32>,
      %swap3A_401 = vector.shape_cast %swap3A_400 : vector<1x16xf32> to vector<16xf32>
      %swap3A_402 = vector.shape_cast %add3A_396 : vector<16xf32> to vector<1x16xf32>
      tpu.vector_store %arg8[%swap3A, %swap3A_399], %swap3A_402 {strides = array<i32>} : memref<512x16xf32, #tpu.memory_space<vmem>>, vector<1x16xf32>,
    }
    %scan3A_341 = arith.constant 64 : i32
    %dma_wait3A_342 = arith.constant 14 : i32
    %dma_wait3A_343 = arith.constant 0 : i32
    %dma_wait3A_344 = arith.constant 0 : i32
    %dma_wait3A_345 = tpu.memref_slice %arg7[%dma_wait3A_343, %dma_wait3A_344] : memref<256x128xf32, #tpu.memory_space<vmem>> -> memref<128x128xf32, #tpu.memory_space<vmem>>
    %dma_wait3A_346 = arith.constant 0 : i32
    %dma_wait3A_347 = tpu.memref_slice %arg5[%dma_wait3A_342, %dma_wait3A_346] : memref<16x128xi32, #tpu.memory_space<vmem>> -> memref<1x128xi32, #tpu.memory_space<vmem>>
    %dma_wait3A_348 = tpu.memref_squeeze %dma_wait3A_347 : memref<1x128xi32, #tpu.memory_space<vmem>> -> memref<128xi32, #tpu.memory_space<vmem>>
    %dma_wait3A_349 = arith.constant 0 : i32
    %dma_wait3A_350 = arith.constant 0 : i32
    %dma_wait3A_351 = tpu.memref_slice %arg2[%dma_wait3A_349, %dma_wait3A_350] : memref<16384x128xf32, #tpu.memory_space<hbm>> -> memref<16384x128xf32, #tpu.memory_space<hbm>>
    tpu.wait_indirect_dma semaphore(%arg10 : memref<!tpu.dma_semaphore, #tpu.memory_space<semaphore_mem>>) src(%dma_wait3A_351 : memref<16384x128xf32, #tpu.memory_space<hbm>>) dst(%dma_wait3A_345 : memref<128x128xf32, #tpu.memory_space<vmem>>)
    %dma_wait3A_352 = arith.constant 15 : i32
    %dma_wait3A_353 = arith.constant 128 : i32
    %dma_wait3A_354 = arith.constant 0 : i32
    %dma_wait3A_355 = tpu.memref_slice %arg7[%dma_wait3A_353, %dma_wait3A_354] : memref<256x128xf32, #tpu.memory_space<vmem>> -> memref<128x128xf32, #tpu.memory_space<vmem>>
    %dma_wait3A_356 = arith.constant 0 : i32
    %dma_wait3A_357 = tpu.memref_slice %arg5[%dma_wait3A_352, %dma_wait3A_356] : memref<16x128xi32, #tpu.memory_space<vmem>> -> memref<1x128xi32, #tpu.memory_space<vmem>>
    %dma_wait3A_358 = tpu.memref_squeeze %dma_wait3A_357 : memref<1x128xi32, #tpu.memory_space<vmem>> -> memref<128xi32, #tpu.memory_space<vmem>>
    %dma_wait3A_359 = arith.constant 0 : i32
    %dma_wait3A_360 = arith.constant 0 : i32
    %dma_wait3A_361 = tpu.memref_slice %arg2[%dma_wait3A_359, %dma_wait3A_360] : memref<16384x128xf32, #tpu.memory_space<hbm>> -> memref<16384x128xf32, #tpu.memory_space<hbm>>
    tpu.wait_indirect_dma semaphore(%arg10 : memref<!tpu.dma_semaphore, #tpu.memory_space<semaphore_mem>>) src(%dma_wait3A_361 : memref<16384x128xf32, #tpu.memory_space<hbm>>) dst(%dma_wait3A_355 : memref<128x128xf32, #tpu.memory_space<vmem>>)
    %scan3A_362 = arith.constant 0 : i32
    %scan3A_363 = arith.constant 0 : i32
    %scan3A_364 = arith.constant 64 : i32
    %scan3A_365 = arith.addi %scan3A_363, %scan3A_364 : i32
    %scan3A_366 = arith.constant 1 : i32
    scf.for %scan3A_370 = %scan3A_363 to %scan3A_365 step %scan3A_366  : i32 {
      %mul3A_371 = arith.constant 4 : i32
      %mul3A_372 = arith.muli %scan3A_370, %mul3A_371 : i32
      %get3A = arith.index_cast %mul3A_372 : i32 to index
      %get3A_373 = arith.constant 0 : index
      %get3A_374 = tpu.vector_load %arg7[%get3A, %get3A_373] {strides = array<i32>} : memref<256x128xf32, #tpu.memory_space<vmem>>, vector<1x16xf32>,
      %get3A_375 = vector.shape_cast %get3A_374 : vector<1x16xf32> to vector<16xf32>
      %add3A_376 = arith.constant 1 : i32
      %add3A_377 = arith.addi %mul3A_372, %add3A_376 : i32
      %get3A_378 = arith.index_cast %add3A_377 : i32 to index
      %get3A_379 = arith.constant 16 : index
      %get3A_380 = tpu.vector_load %arg7[%get3A_378, %get3A_379] {strides = array<i32>} : memref<256x128xf32, #tpu.memory_space<vmem>>, vector<1x16xf32>,
      %get3A_381 = vector.shape_cast %get3A_380 : vector<1x16xf32> to vector<16xf32>
      %add3A_382 = arith.addf %get3A_375, %get3A_381 : vector<16xf32>
      %add3A_383 = arith.constant 2 : i32
      %add3A_384 = arith.addi %mul3A_372, %add3A_383 : i32
      %get3A_385 = arith.index_cast %add3A_384 : i32 to index
      %get3A_386 = arith.constant 32 : index
      %get3A_387 = tpu.vector_load %arg7[%get3A_385, %get3A_386] {strides = array<i32>} : memref<256x128xf32, #tpu.memory_space<vmem>>, vector<1x16xf32>,
      %get3A_388 = vector.shape_cast %get3A_387 : vector<1x16xf32> to vector<16xf32>
      %add3A_389 = arith.constant 3 : i32
      %add3A_390 = arith.addi %mul3A_372, %add3A_389 : i32
      %get3A_391 = arith.index_cast %add3A_390 : i32 to index
      %get3A_392 = arith.constant 48 : index
      %get3A_393 = tpu.vector_load %arg7[%get3A_391, %get3A_392] {strides = array<i32>} : memref<256x128xf32, #tpu.memory_space<vmem>>, vector<1x16xf32>,
      %get3A_394 = vector.shape_cast %get3A_393 : vector<1x16xf32> to vector<16xf32>
      %add3A_395 = arith.addf %get3A_388, %get3A_394 : vector<16xf32>
      %add3A_396 = arith.addf %add3A_382, %add3A_395 : vector<16xf32>
      %add3A_397 = arith.constant 448 : i32
      %add3A_398 = arith.addi %add3A_397, %scan3A_370 : i32
      %swap3A = arith.index_cast %add3A_398 : i32 to index
      %swap3A_399 = arith.constant 0 : index
      %swap3A_400 = tpu.vector_load %arg8[%swap3A, %swap3A_399] {strides = array<i32>} : memref<512x16xf32, #tpu.memory_space<vmem>>, vector<1x16xf32>,
      %swap3A_401 = vector.shape_cast %swap3A_400 : vector<1x16xf32> to vector<16xf32>
      %swap3A_402 = vector.shape_cast %add3A_396 : vector<16xf32> to vector<1x16xf32>
      tpu.vector_store %arg8[%swap3A, %swap3A_399], %swap3A_402 {strides = array<i32>} : memref<512x16xf32, #tpu.memory_space<vmem>>, vector<1x16xf32>,
    }
    %scan3A_367 = arith.constant 64 : i32
    %mul3A_368 = arith.constant 512 : i32
    %mul3A_369 = arith.muli %add3A, %mul3A_368 : i32
    "tpu.region"() ({
      %run_scoped3A = tpu.sem_alloc : memref<!tpu.dma_semaphore, #tpu.memory_space<semaphore_mem>>
      %dma_start3A_370 = arith.constant 0 : i32
      %dma_start3A_371 = tpu.memref_slice %arg4[%mul3A_369, %dma_start3A_370] : memref<16384x16xf32, #tpu.memory_space<hbm>> -> memref<512x16xf32, #tpu.memory_space<hbm>>
      %dma_start3A_372 = arith.constant 0 : i32
      %dma_start3A_373 = tpu.memref_slice %arg4[%mul3A_369, %dma_start3A_372] : memref<16384x16xf32, #tpu.memory_space<hbm>> -> memref<512x16xf32, #tpu.memory_space<hbm>>
      tpu.enqueue_dma source(%arg8 : memref<512x16xf32, #tpu.memory_space<vmem>>) target(%dma_start3A_373 : memref<512x16xf32, #tpu.memory_space<hbm>>) target_semaphore(%run_scoped3A : memref<!tpu.dma_semaphore, #tpu.memory_space<semaphore_mem>>)
      %dma_wait3A_374 = arith.constant 0 : i32
      %dma_wait3A_375 = tpu.memref_slice %arg4[%mul3A_369, %dma_wait3A_374] : memref<16384x16xf32, #tpu.memory_space<hbm>> -> memref<512x16xf32, #tpu.memory_space<hbm>>
      %dma_wait3A_376 = arith.constant 0 : i32
      %dma_wait3A_377 = tpu.memref_slice %arg4[%mul3A_369, %dma_wait3A_376] : memref<16384x16xf32, #tpu.memory_space<hbm>> -> memref<512x16xf32, #tpu.memory_space<hbm>>
      tpu.wait_dma2 semaphore(%run_scoped3A : memref<!tpu.dma_semaphore, #tpu.memory_space<semaphore_mem>>) src(%arg8 : memref<512x16xf32, #tpu.memory_space<vmem>>) dst(%dma_wait3A_377 : memref<512x16xf32, #tpu.memory_space<hbm>>)
      tpu.yield
    }) : () -> ()
    return
  }
}

module attributes {stable_mosaic.version = 14 : i64} {
  func.func @_topk_body(%arg0: i32, %arg1: i32, %arg2: memref<1x16x1024xf32, #tpu.memory_space<vmem>>, %arg3: memref<1x16x4096xf32, #tpu.memory_space<vmem>>, %arg4: memref<16x128xf32, #tpu.memory_space<vmem>>, %arg5: memref<128xf32, #tpu.memory_space<vmem>>, %arg6: memref<1x1024x4xi32, #tpu.memory_space<vmem>>, %arg7: memref<1x1024x128xf32, #tpu.memory_space<vmem>>) attributes {dimension_semantics = [#tpu.dimension_semantics<parallel>, #tpu.dimension_semantics<parallel>], iteration_bounds = array<i64: 4, 4>, scalar_prefetch = 0 : i64, scratch_operands = 0 : i64, tpu.core_type = #tpu.core_type<tc>, window_params = [{transform_indices = @transform_0, window_bounds = array<i64: 1, 16, 1024>}, {transform_indices = @transform_1, window_bounds = array<i64: 1, 16, 4096>}, {pipeline_mode = #tpu.pipeline_mode<synchronous>, transform_indices = @transform_2, window_bounds = array<i64: 16, 128>}, {pipeline_mode = #tpu.pipeline_mode<synchronous>, transform_indices = @transform_3, window_bounds = array<i64: 128>}, {transform_indices = @transform_4, window_bounds = array<i64: 1, 1024, 4>}, {transform_indices = @transform_5, window_bounds = array<i64: 1, 1024, 128>}]} {
    %get3A = arith.constant 0 : index
    %get3A_0 = arith.constant 0 : index
    %get3A_1 = arith.constant 0 : index
    %get3A_2 = vector.load %arg2[%get3A, %get3A_0, %get3A_1] : memref<1x16x1024xf32, #tpu.memory_space<vmem>>, vector<1x16x1024xf32>
    %get3A_3 = vector.shape_cast %get3A_2 : vector<1x16x1024xf32> to vector<16x1024xf32>
    %get3A_4 = arith.constant 0 : index
    %get3A_5 = arith.constant 0 : index
    %get3A_6 = arith.constant 0 : index
    %get3A_7 = vector.load %arg3[%get3A_4, %get3A_5, %get3A_6] : memref<1x16x4096xf32, #tpu.memory_space<vmem>>, vector<1x16x4096xf32>
    %get3A_8 = vector.shape_cast %get3A_7 : vector<1x16x4096xf32> to vector<16x4096xf32>
    %dot_general3A = arith.constant dense<0.000000e+00> : vector<1024x4096xf32>
    %dot_general3A_9 = tpu.matmul %get3A_3, %get3A_8, %dot_general3A {dimension_numbers = #tpu.dot_dimension_numbers<[0], [0], [1], [1], [0, 1, 1, 1], [], []>, transpose_lhs_hint = false} : vector<16x1024xf32>, vector<16x4096xf32>, vector<1024x4096xf32> -> vector<1024x4096xf32>
    %mul3A = arith.mulf %get3A_8, %get3A_8 : vector<16x4096xf32>
    %reduce_sum3A = arith.constant dense<0.000000e+00> : vector<4096xf32>
    %reduce_sum3A_10 = vector.multi_reduction <add>, %mul3A, %reduce_sum3A [0] : vector<16x4096xf32> to vector<4096xf32>
    %broadcast_in_dim3A = vector.shape_cast %reduce_sum3A_10 : vector<4096xf32> to vector<1x4096xf32>
    %broadcast_in_dim3A_11 = arith.constant 1.000000e+00 : f32
    %broadcast_in_dim3A_12 = vector.broadcast %broadcast_in_dim3A_11 : f32 to vector<16x1xf32>
    %mul3A_13 = arith.mulf %get3A_3, %get3A_3 : vector<16x1024xf32>
    %dot_general3A_14 = arith.constant dense<0.000000e+00> : vector<1024x1xf32>
    %dot_general3A_15 = tpu.matmul %mul3A_13, %broadcast_in_dim3A_12, %dot_general3A_14 {dimension_numbers = #tpu.dot_dimension_numbers<[0], [0], [1], [1], [0, 1, 1, 1], [], []>, transpose_lhs_hint = false} : vector<16x1024xf32>, vector<16x1xf32>, vector<1024x1xf32> -> vector<1024x1xf32>
    %add3A = vector.broadcast %broadcast_in_dim3A : vector<1x4096xf32> to vector<1024x4096xf32>
    %add3A_16 = vector.broadcast %dot_general3A_15 : vector<1024x1xf32> to vector<1024x4096xf32>
    %add3A_17 = arith.addf %add3A, %add3A_16 : vector<1024x4096xf32>
    %mul3A_18 = arith.constant 2.000000e+00 : f32
    %mul3A_19 = vector.broadcast %mul3A_18 : f32 to vector<1024x4096xf32>
    %mul3A_20 = arith.mulf %mul3A_19, %dot_general3A_9 : vector<1024x4096xf32>
    %sub3A = arith.subf %add3A_17, %mul3A_20 : vector<1024x4096xf32>
    %max3A = arith.constant 0.000000e+00 : f32
    %max3A_21 = vector.broadcast %max3A : f32 to vector<1024x4096xf32>
    %max3A_22 = arith.maximumf %sub3A, %max3A_21 : vector<1024x4096xf32>
    %get3A_23 = arith.constant 0 : index
    %get3A_24 = arith.constant 0 : index
    %get3A_25 = vector.load %arg4[%get3A_23, %get3A_24] : memref<16x128xf32, #tpu.memory_space<vmem>>, vector<16x128xf32>
    %dot_general3A_26 = arith.constant dense<0.000000e+00> : vector<1024x128xf32>
    %dot_general3A_27 = tpu.matmul %get3A_3, %get3A_25, %dot_general3A_26 {dimension_numbers = #tpu.dot_dimension_numbers<[0], [0], [1], [1], [0, 1, 1, 1], [], []>, transpose_lhs_hint = false} : vector<16x1024xf32>, vector<16x128xf32>, vector<1024x128xf32> -> vector<1024x128xf32>
    %get3A_28 = arith.constant 0 : index
    %get3A_29 = vector.load %arg5[%get3A_28] : memref<128xf32, #tpu.memory_space<vmem>>, vector<128xf32>
    %broadcast_in_dim3A_30 = vector.shape_cast %get3A_29 : vector<128xf32> to vector<1x128xf32>
    %add3A_31 = vector.broadcast %broadcast_in_dim3A_30 : vector<1x128xf32> to vector<1024x128xf32>
    %add3A_32 = arith.addf %dot_general3A_27, %add3A_31 : vector<1024x128xf32>
    %swap3A = arith.constant 0 : index
    %swap3A_33 = arith.constant 0 : index
    %swap3A_34 = arith.constant 0 : index
    %swap3A_35 = vector.load %arg7[%swap3A, %swap3A_33, %swap3A_34] : memref<1x1024x128xf32, #tpu.memory_space<vmem>>, vector<1x1024x128xf32>
    %swap3A_36 = vector.shape_cast %swap3A_35 : vector<1x1024x128xf32> to vector<1024x128xf32>
    %swap3A_37 = vector.shape_cast %add3A_32 : vector<1024x128xf32> to vector<1x1024x128xf32>
    tpu.vector_store %arg7[%swap3A, %swap3A_33, %swap3A_34], %swap3A_37 {strides = array<i32>} : memref<1x1024x128xf32, #tpu.memory_space<vmem>>, vector<1x1024x128xf32>,
    %iota3A = tpu.iota {dimensions = array<i32: 1>} : vector<1024x4096xi32>
    %convert_element_type3A = arith.sitofp %iota3A : vector<1024x4096xi32> to vector<1024x4096xf32>
    %reduce_min3A = arith.constant dense<0x7F800000> : vector<1024xf32>
    %reduce_min3A_38 = vector.multi_reduction <minimumf>, %max3A_22, %reduce_min3A [1] : vector<1024x4096xf32> to vector<1024xf32>
    %broadcast_in_dim3A_39 = vector.shape_cast %reduce_min3A_38 : vector<1024xf32> to vector<1024x1xf32>
    %eq3A = vector.broadcast %broadcast_in_dim3A_39 : vector<1024x1xf32> to vector<1024x4096xf32>
    %eq3A_40 = arith.cmpf oeq, %max3A_22, %eq3A : vector<1024x4096xf32>
    %jit3A = arith.constant 4.096000e+03 : f32
    %broadcast_in_dim3A_41 = vector.broadcast %jit3A : f32 to vector<1024x4096xf32>
    %select_n3A = arith.select %eq3A_40, %convert_element_type3A, %broadcast_in_dim3A_41 : vector<1024x4096xi1>, vector<1024x4096xf32>
    %reduce_min3A_42 = arith.constant dense<0x7F800000> : vector<1024xf32>
    %reduce_min3A_43 = vector.multi_reduction <minimumf>, %select_n3A, %reduce_min3A_42 [1] : vector<1024x4096xf32> to vector<1024xf32>
    %broadcast_in_dim3A_44 = vector.shape_cast %reduce_min3A_43 : vector<1024xf32> to vector<1024x1xf32>
    %eq3A_45 = vector.broadcast %broadcast_in_dim3A_44 : vector<1024x1xf32> to vector<1024x4096xf32>
    %eq3A_46 = arith.cmpf oeq, %convert_element_type3A, %eq3A_45 : vector<1024x4096xf32>
    %jit3A_47 = arith.constant 3.000000e+38 : f32
    %broadcast_in_dim3A_48 = vector.broadcast %jit3A_47 : f32 to vector<1024x4096xf32>
    %select_n3A_49 = arith.select %eq3A_46, %broadcast_in_dim3A_48, %max3A_22 : vector<1024x4096xi1>, vector<1024x4096xf32>
    %reduce_min3A_50 = arith.constant dense<0x7F800000> : vector<1024xf32>
    %reduce_min3A_51 = vector.multi_reduction <minimumf>, %select_n3A_49, %reduce_min3A_50 [1] : vector<1024x4096xf32> to vector<1024xf32>
    %broadcast_in_dim3A_52 = vector.shape_cast %reduce_min3A_51 : vector<1024xf32> to vector<1024x1xf32>
    %eq3A_53 = vector.broadcast %broadcast_in_dim3A_52 : vector<1024x1xf32> to vector<1024x4096xf32>
    %eq3A_54 = arith.cmpf oeq, %select_n3A_49, %eq3A_53 : vector<1024x4096xf32>
    %jit3A_55 = arith.constant 4.096000e+03 : f32
    %broadcast_in_dim3A_56 = vector.broadcast %jit3A_55 : f32 to vector<1024x4096xf32>
    %select_n3A_57 = arith.select %eq3A_54, %convert_element_type3A, %broadcast_in_dim3A_56 : vector<1024x4096xi1>, vector<1024x4096xf32>
    %reduce_min3A_58 = arith.constant dense<0x7F800000> : vector<1024xf32>
    %reduce_min3A_59 = vector.multi_reduction <minimumf>, %select_n3A_57, %reduce_min3A_58 [1] : vector<1024x4096xf32> to vector<1024xf32>
    %broadcast_in_dim3A_60 = vector.shape_cast %reduce_min3A_59 : vector<1024xf32> to vector<1024x1xf32>
    %eq3A_61 = vector.broadcast %broadcast_in_dim3A_60 : vector<1024x1xf32> to vector<1024x4096xf32>
    %eq3A_62 = arith.cmpf oeq, %convert_element_type3A, %eq3A_61 : vector<1024x4096xf32>
    %jit3A_63 = arith.constant 3.000000e+38 : f32
    %broadcast_in_dim3A_64 = vector.broadcast %jit3A_63 : f32 to vector<1024x4096xf32>
    %select_n3A_65 = arith.select %eq3A_62, %broadcast_in_dim3A_64, %select_n3A_49 : vector<1024x4096xi1>, vector<1024x4096xf32>
    %reduce_min3A_66 = arith.constant dense<0x7F800000> : vector<1024xf32>
    %reduce_min3A_67 = vector.multi_reduction <minimumf>, %select_n3A_65, %reduce_min3A_66 [1] : vector<1024x4096xf32> to vector<1024xf32>
    %broadcast_in_dim3A_68 = vector.shape_cast %reduce_min3A_67 : vector<1024xf32> to vector<1024x1xf32>
    %eq3A_69 = vector.broadcast %broadcast_in_dim3A_68 : vector<1024x1xf32> to vector<1024x4096xf32>
    %eq3A_70 = arith.cmpf oeq, %select_n3A_65, %eq3A_69 : vector<1024x4096xf32>
    %jit3A_71 = arith.constant 4.096000e+03 : f32
    %broadcast_in_dim3A_72 = vector.broadcast %jit3A_71 : f32 to vector<1024x4096xf32>
    %select_n3A_73 = arith.select %eq3A_70, %convert_element_type3A, %broadcast_in_dim3A_72 : vector<1024x4096xi1>, vector<1024x4096xf32>
    %reduce_min3A_74 = arith.constant dense<0x7F800000> : vector<1024xf32>
    %reduce_min3A_75 = vector.multi_reduction <minimumf>, %select_n3A_73, %reduce_min3A_74 [1] : vector<1024x4096xf32> to vector<1024xf32>
    %broadcast_in_dim3A_76 = vector.shape_cast %reduce_min3A_75 : vector<1024xf32> to vector<1024x1xf32>
    %eq3A_77 = vector.broadcast %broadcast_in_dim3A_76 : vector<1024x1xf32> to vector<1024x4096xf32>
    %eq3A_78 = arith.cmpf oeq, %convert_element_type3A, %eq3A_77 : vector<1024x4096xf32>
    %jit3A_79 = arith.constant 3.000000e+38 : f32
    %broadcast_in_dim3A_80 = vector.broadcast %jit3A_79 : f32 to vector<1024x4096xf32>
    %select_n3A_81 = arith.select %eq3A_78, %broadcast_in_dim3A_80, %select_n3A_65 : vector<1024x4096xi1>, vector<1024x4096xf32>
    %reduce_min3A_82 = arith.constant dense<0x7F800000> : vector<1024xf32>
    %reduce_min3A_83 = vector.multi_reduction <minimumf>, %select_n3A_81, %reduce_min3A_82 [1] : vector<1024x4096xf32> to vector<1024xf32>
    %broadcast_in_dim3A_84 = vector.shape_cast %reduce_min3A_83 : vector<1024xf32> to vector<1024x1xf32>
    %eq3A_85 = vector.broadcast %broadcast_in_dim3A_84 : vector<1024x1xf32> to vector<1024x4096xf32>
    %eq3A_86 = arith.cmpf oeq, %select_n3A_81, %eq3A_85 : vector<1024x4096xf32>
    %jit3A_87 = arith.constant 4.096000e+03 : f32
    %broadcast_in_dim3A_88 = vector.broadcast %jit3A_87 : f32 to vector<1024x4096xf32>
    %select_n3A_89 = arith.select %eq3A_86, %convert_element_type3A, %broadcast_in_dim3A_88 : vector<1024x4096xi1>, vector<1024x4096xf32>
    %reduce_min3A_90 = arith.constant dense<0x7F800000> : vector<1024xf32>
    %reduce_min3A_91 = vector.multi_reduction <minimumf>, %select_n3A_89, %reduce_min3A_90 [1] : vector<1024x4096xf32> to vector<1024xf32>
    %broadcast_in_dim3A_92 = vector.shape_cast %reduce_min3A_91 : vector<1024xf32> to vector<1024x1xf32>
    %iota3A_93 = tpu.iota {dimensions = array<i32: 1>} : vector<1024x4xi32>
    %eq3A_94 = arith.constant 0 : i32
    %eq3A_95 = vector.broadcast %eq3A_94 : i32 to vector<1024x4xi32>
    %eq3A_96 = arith.cmpi eq, %iota3A_93, %eq3A_95 : vector<1024x4xi32>
    %eq3A_97 = arith.constant 1 : i32
    %eq3A_98 = vector.broadcast %eq3A_97 : i32 to vector<1024x4xi32>
    %eq3A_99 = arith.cmpi eq, %iota3A_93, %eq3A_98 : vector<1024x4xi32>
    %eq3A_100 = arith.constant 2 : i32
    %eq3A_101 = vector.broadcast %eq3A_100 : i32 to vector<1024x4xi32>
    %eq3A_102 = arith.cmpi eq, %iota3A_93, %eq3A_101 : vector<1024x4xi32>
    %broadcast_in_dim3A_103 = vector.shape_cast %broadcast_in_dim3A_76 : vector<1024x1xf32> to vector<1024x1xf32>
    %broadcast_in_dim3A_104 = vector.broadcast %broadcast_in_dim3A_103 : vector<1024x1xf32> to vector<1024x4xf32>
    %broadcast_in_dim3A_105 = vector.shape_cast %broadcast_in_dim3A_92 : vector<1024x1xf32> to vector<1024x1xf32>
    %broadcast_in_dim3A_106 = vector.broadcast %broadcast_in_dim3A_105 : vector<1024x1xf32> to vector<1024x4xf32>
    %select_n3A_107 = arith.select %eq3A_102, %broadcast_in_dim3A_104, %broadcast_in_dim3A_106 : vector<1024x4xi1>, vector<1024x4xf32>
    %broadcast_in_dim3A_108 = vector.shape_cast %broadcast_in_dim3A_60 : vector<1024x1xf32> to vector<1024x1xf32>
    %broadcast_in_dim3A_109 = vector.broadcast %broadcast_in_dim3A_108 : vector<1024x1xf32> to vector<1024x4xf32>
    %select_n3A_110 = arith.select %eq3A_99, %broadcast_in_dim3A_109, %select_n3A_107 : vector<1024x4xi1>, vector<1024x4xf32>
    %broadcast_in_dim3A_111 = vector.shape_cast %broadcast_in_dim3A_44 : vector<1024x1xf32> to vector<1024x1xf32>
    %broadcast_in_dim3A_112 = vector.broadcast %broadcast_in_dim3A_111 : vector<1024x1xf32> to vector<1024x4xf32>
    %select_n3A_113 = arith.select %eq3A_96, %broadcast_in_dim3A_112, %select_n3A_110 : vector<1024x4xi1>, vector<1024x4xf32>
    %convert_element_type3A_114 = arith.fptosi %select_n3A_113 : vector<1024x4xf32> to vector<1024x4xi32>
    %mul3A_115 = arith.constant 4096 : i32
    %mul3A_116 = arith.muli %arg0, %mul3A_115 : i32
    %add3A_117 = vector.broadcast %mul3A_116 : i32 to vector<1024x4xi32>
    %add3A_118 = arith.addi %convert_element_type3A_114, %add3A_117 : vector<1024x4xi32>
    %swap3A_119 = arith.constant 0 : index
    %swap3A_120 = arith.constant 0 : index
    %swap3A_121 = arith.constant 0 : index
    %swap3A_122 = vector.load %arg6[%swap3A_119, %swap3A_120, %swap3A_121] : memref<1x1024x4xi32, #tpu.memory_space<vmem>>, vector<1x1024x4xi32>
    %swap3A_123 = vector.shape_cast %swap3A_122 : vector<1x1024x4xi32> to vector<1024x4xi32>
    %swap3A_124 = vector.shape_cast %add3A_118 : vector<1024x4xi32> to vector<1x1024x4xi32>
    tpu.vector_store %arg6[%swap3A_119, %swap3A_120, %swap3A_121], %swap3A_124 {strides = array<i32>} : memref<1x1024x4xi32, #tpu.memory_space<vmem>>, vector<1x1024x4xi32>,
    return
  }
  func.func @transform_0(%arg0: i32, %arg1: i32) -> (i32, i32, i32) {
    %c0_i32 = arith.constant 0 : i32
    %c0_i32_0 = arith.constant 0 : i32
    return %arg0, %c0_i32, %arg1 : i32, i32, i32
  }
  func.func @transform_1(%arg0: i32, %arg1: i32) -> (i32, i32, i32) {
    %c0_i32 = arith.constant 0 : i32
    %c0_i32_0 = arith.constant 0 : i32
    %c0_i32_1 = arith.constant 0 : i32
    return %arg0, %c0_i32, %c0_i32_0 : i32, i32, i32
  }
  func.func @transform_2(%arg0: i32, %arg1: i32) -> (i32, i32) {
    %c0_i32 = arith.constant 0 : i32
    %c0_i32_0 = arith.constant 0 : i32
    %c0_i32_1 = arith.constant 0 : i32
    return %c0_i32, %c0_i32_0 : i32, i32
  }
  func.func @transform_3(%arg0: i32, %arg1: i32) -> i32 {
    %c0_i32 = arith.constant 0 : i32
    %c0_i32_0 = arith.constant 0 : i32
    return %c0_i32 : i32
  }
  func.func @transform_4(%arg0: i32, %arg1: i32) -> (i32, i32, i32) {
    %mul3A = arith.constant 4 : i32
    %mul3A_0 = arith.muli %arg0, %mul3A : i32
    %add3A = arith.addi %mul3A_0, %arg1 : i32
    %c0_i32 = arith.constant 0 : i32
    %c0_i32_1 = arith.constant 0 : i32
    %c0_i32_2 = arith.constant 0 : i32
    return %add3A, %c0_i32, %c0_i32_1 : i32, i32, i32
  }
  func.func @transform_5(%arg0: i32, %arg1: i32) -> (i32, i32, i32) {
    %mul3A = arith.constant 4 : i32
    %mul3A_0 = arith.muli %arg0, %mul3A : i32
    %add3A = arith.addi %mul3A_0, %arg1 : i32
    %c0_i32 = arith.constant 0 : i32
    %c0_i32_1 = arith.constant 0 : i32
    %c0_i32_2 = arith.constant 0 : i32
    return %add3A, %c0_i32, %c0_i32_1 : i32, i32, i32
  }
}

</mosaic_0001>

<sc_bundles>
// kernel: kernel.4.cloned.1.call-start
scs
__scs_entry_jumppad:
0x0: {  	(pc) =	sbr.rel $0x88, $3  }
0x1: {  	(tag) =	ssettag $0x0;
	lr =	simm.s32 $0x1  }
0x2: {  	[smem:$0x3F9E] =	sst lr;
	_ =	strace $0xD0000000  }
0x3: {  	_ = 	snop  }
0x4: {  	_ = 	snop  }
0x5: {  	_ = 	snop  }
0x6: {  	_ = 	snop  }
0x7: {  	_ = 	snop  }
__scs_overlays_trampoline_lowered:
0x8: {  	[smem:$0x3FAD] =	sst s0  }
0x9: {  	[smem:$0x3FAE] =	sst s1  }
0xa: {  	[smem:$0x3FAF] =	sst s2  }
0xb: {  	[smem:$0x3FB0] =	sst s3  }
0xc: {  	[smem:$0x3FB1] =	sst s4  }
0xd: {  	[smem:$0x3FB2] =	sst s5  }
0xe: {  	[smem:$0x3FB3] =	sst s6  }
0xf: {  	[smem:$0x3FB4] =	sst s7  }
0x10: {  	[smem:$0x3FB5] =	sst s8  }
0x11: {  	[smem:$0x3FB6] =	sst s9;
	s0 =	simm.s32 @!p0 $0x0  }
0x12: {  	s1 =	sld [smem:$0x3F9C];
	s0 =	simm.s32 @p0 $0x1  }
0x13: {  	[smem:$0x3FB7] =	sst s0;
	s0 =	simm.s32 @!p1 $0x0  }
0x14: {  	s2 =	sld [smem:$0x3F9B];
	s0 =	simm.s32 @p1 $0x1  }
0x15: {  	[smem:$0x3FB8] =	sst s0;
	s0 =	simm.s32 @!p2 $0x0  }
0x16: {  	s3 =	sld [smem:$0x3FDB];
	s0 =	simm.s32 @p2 $0x1  }
0x17: {  	s4 =	simm.s32 $0x1BF5;
	[smem:$0x3FBA] =	sst s0  }
0x18: {  	s0 =	sld [smem:$0x3F9D];
	_ =	swait.ge [sflag:s4], $0x0  }
0x19: {  	s7 =	sld [smem:$0x3F9E]  }
0x1a: {  	s8 =	sadd.s32 $0xFFFFE003, lr  }
0x1b: {  	s9 =	sadd.s32 $0xFFFFFEF7, lr;
	s5 =	simm.s32 $0xFFFFFFFF;
	p2 =	slt.u32 s8, $0xFFFFF086  }
0x1c: {  	p1 =	slt.u32 s9, $0xF7A;
	s5 =	simm.s32 @!p2 $0x0  }
0x1d: {  	s5 =	simm.s32 @p1 $0x1;
	p0 =	seq.s32 s7, s2  }
0x1e: {  	s7 =	smul.u32 @!p0 $0xF7A, s2;
	p2 =	seq.s32 @!p0 s5, $0x0  }
0x1f: {  	s9 =	smul.u32 $0xF7A, s1;
	s8 =	simm.s32 @!p0 $0x1BF5;
	p2 =	por !p2, p0  }
0x20: {  	[sflag:s8] =	ssyncset.s32 @!p0 $0xFFFFF086;
	s6 =	sadd.s32 @!p0 s3, s7;
	s7 =	simm.s32 @!p0 $0x108  }
0x21: {  	s3 =	sadd.s32 s3, s9;
	s6 =	sadd.s32 @!p0 $0x88, s6;
	s7 =	simm.s32 @p2 $0x1082  }
0x22: {  	[simem:s7], [sflag:s8] =	dma.local @!p0 [hbm:s6], $0xF7A  }
0x23: {  	s9 =	sor.u32 $0xD0000000, s2;
	s6 =	simm.s32 $0x108;
	_ =	swait.ge @!p0 [sflag:s8], $0x0  }
0x24: {  	s3 =	sadd.s32 $0x88, s3;
	s6 =	simm.s32 @!p1 $0x1082;
	[sflag:s4] =	ssyncset.s32 $0xFFFFF086  }
0x25: {  	[simem:s6], [sflag:s4] =	dma.local [hbm:s3], $0xF7A  }
0x26: {  	[smem:$0x3F9E] =	sst s1;
	(tag) =	ssettag s2;
	_ =	strace s9  }
0x27: {  	s1 =	sld [smem:$0x3FAE]  }
0x28: {  	s2 =	sld [smem:$0x3FAF]  }
0x29: {  	s4 =	sld [smem:$0x3FB1]  }
0x2a: {  	p0 =	seq.s32 s5, $0x0;
	s5 =	sld [smem:$0x3FB2]  }
0x2b: {  	s6 =	sld [smem:$0x3FB3]  }
0x2c: {  	s7 =	sld [smem:$0x3FB4]  }
0x2d: {  	s3 =	simm.s32 $0x108;
	s8 =	sld [smem:$0x3FB5]  }
0x2e: {  	s3 =	simm.s32 @!p0 $0x1082;
	s9 =	sld [smem:$0x3FB6]  }
0x2f: {  	lr =	sadd.s32 s0, s3;
	s0 =	sld [smem:$0x3FAD]  }
0x30: {  	s3 =	sld [smem:$0x3FB0]  }
0x31: {  	[smem:$0x3FB9] =	sst s10  }
0x32: {  	s10 =	sld [smem:$0x3FB7];
	_ =	sdelay $0x3  }
0x33: {  	p0 =	seq.s32 s10, $0x1;
	s10 =	sld [smem:$0x3FB9];
	_ =	sdelay $0x3  }
0x34: {  	[smem:$0x3FB9] =	sst s10  }
0x35: {  	s10 =	sld [smem:$0x3FB8];
	_ =	sdelay $0x3  }
0x36: {  	p1 =	seq.s32 s10, $0x1;
	s10 =	sld [smem:$0x3FB9];
	_ =	sdelay $0x3  }
0x37: {  	[smem:$0x3FB9] =	sst s10  }
0x38: {  	s10 =	sld [smem:$0x3FBA]  }
0x39: {  	_ = 	snop;
	(pc) =	sbr.ind lr, $3  }
0x3a: {  	_ = 	snop  }
0x3b: {  	_ = 	snop  }
0x3c: {  	p2 =	seq.s32 s10, $0x1;
	s10 =	sld [smem:$0x3FB9]  }
0x3d: {  	_ =	shalt  }
0x3e: {  	_ =	shalt  }
0x3f: {  	_ =	shalt  }
0x40: {  	_ =	shalt  }
0x41: {  	_ =	shalt  }
0x42: {  	_ =	shalt  }
0x43: {  	_ =	shalt  }
0x44: {  	_ =	shalt  }
0x45: {  	_ =	shalt  }
0x46: {  	_ =	shalt  }
0x47: {  	_ =	shalt  }
0x48: {  	_ =	shalt  }
0x49: {  	_ =	shalt  }
0x4a: {  	_ =	shalt  }
0x4b: {  	_ =	shalt  }
0x4c: {  	_ =	shalt  }
0x4d: {  	_ =	shalt  }
0x4e: {  	_ =	shalt  }
0x4f: {  	_ =	shalt  }
0x50: {  	_ =	shalt  }
0x51: {  	_ =	shalt  }
0x52: {  	_ =	shalt  }
0x53: {  	_ =	shalt  }
0x54: {  	_ =	shalt  }
0x55: {  	_ =	shalt  }
0x56: {  	_ =	shalt  }
0x57: {  	_ =	shalt  }
0x58: {  	_ =	shalt  }
0x59: {  	_ =	shalt  }
0x5a: {  	_ =	shalt  }
0x5b: {  	_ =	shalt  }
0x5c: {  	_ =	shalt  }
0x5d: {  	_ =	shalt  }
0x5e: {  	_ =	shalt  }
0x5f: {  	_ =	shalt  }
0x60: {  	_ =	shalt  }
0x61: {  	_ =	shalt  }
0x62: {  	_ =	shalt  }
0x63: {  	_ =	shalt  }
0x64: {  	_ =	shalt  }
0x65: {  	_ =	shalt  }
0x66: {  	_ =	shalt  }
0x67: {  	_ =	shalt  }
0x68: {  	_ =	shalt  }
0x69: {  	_ =	shalt  }
0x6a: {  	_ =	shalt  }
0x6b: {  	_ =	shalt  }
0x6c: {  	_ =	shalt  }
0x6d: {  	_ =	shalt  }
0x6e: {  	_ =	shalt  }
0x6f: {  	_ =	shalt  }
0x70: {  	_ =	shalt  }
0x71: {  	_ =	shalt  }
0x72: {  	_ =	shalt  }
0x73: {  	_ =	shalt  }
0x74: {  	_ =	shalt  }
0x75: {  	_ =	shalt  }
0x76: {  	_ =	shalt  }
0x77: {  	_ =	shalt  }
0x78: {  	_ =	shalt  }
0x79: {  	_ =	shalt  }
0x7a: {  	_ =	shalt  }
0x7b: {  	_ =	shalt  }
0x7c: {  	_ =	shalt  }
0x7d: {  	_ =	shalt  }
0x7e: {  	_ =	shalt  }
0x7f: {  	_ =	shalt  }
0x80: {  	_ =	shalt  }
0x81: {  	_ =	shalt  }
0x82: {  	_ =	shalt  }
0x83: {  	_ =	shalt  }
0x84: {  	_ =	shalt  }
0x85: {  	_ =	shalt  }
0x86: {  	_ =	shalt  }
0x87: {  	_ =	shalt  }
.Lfunc_end0:
.L_simem_size_0:
called_computation_lowered:
.L_overlay_start_0:
0x88: {  	s2 =	sld [smem:$0x3FD9]  }
0x89: {  	s3 =	sld [smem:$0x3FFE];
	_ =	sdelay $0x1  }
0x8a: {  	s1 =	srdreg.scid  }
0x8b: {  	s0 =	sand.u32 $0x1, s1  }
0x8c: {  	s17 =	sshll.u32 s0, $0xA;
	s2 =	sadd.s32 s3, s2  }
0x8d: {  	s2 =	sadd.s32 s2, s17  }
0x8e: {  	[smem:$0x3FC5] =	sst s2  }
0x8f: {  	_ = 	snop  }
0x90: {  	s2 =	sld [smem:$0x3FD0];
	(tm) =	ssettm $0x1  }
0x91: {  	s18 =	sld [smem:$0x3FFB];
	_ =	sdelay $0x3  }
0x92: {  	_ =	strace s18  }
0x93: {  	s3 =	sld [smem:$0x3FFC];
	_ =	sdelay $0x3  }
0x94: {  	_ =	strace s3  }
0x95: {  	s3 =	sld [smem:$0x3FFD];
	_ =	sdelay $0x3  }
0x96: {  	_ =	strace s3  }
0x97: {  	_ =	strace $0x8FFFFFFF  }
0x98: {  	s19 =	sld [smem:$0x3FDB];
	_ =	sdelay $0x1  }
0x99: {  	s4 =	simm.s32 $_scs_section_size  }
0x9a: {  	s5 =	simm.s32 $_size__tile_overlayer_lowered;
	s6 =	simm.s32 $_tile_overlayer_lowered  }
0x9b: {  	s22 =	simm.s32 $0x1BFF;
	s21 =	sshll.u32 s6, $0x1;
	s3 =	sadd.s32 s4, s19  }
0x9c: {  	s7 =	simm.s32 $0x0;
	s20 =	sshll.u32 s5, $0x1;
	s5 =	sadd.s32 s21, s3  }
0x9d: {  	[timem:s7], [sflag:s22] =	dma.local [hbm:s5], s20  }
0x9e: {  	_ =	swait.ge [sflag:s22], s20  }
0x9f: {  	s4 =	ssub.s32 $0x0, s20;
	[sflag:s22] =	ssyncset.done $0x0  }
0xa0: {  	[sflag:s22] =	ssyncadd.s32 s4;
	_ =	sdelay $0x1  }
0xa1: {  	s23 =	simm.s32 $0x1B8B  }
0xa2: {  	_ =	swait.ge [sflag:s23], $0x1  }
0xa3: {  	[sflag:s23] =	ssyncset.done $0x0  }
0xa4: {  	s25 =	simm.s32 $0x1B8E;
	s24 =	sld [smem:$0x3FFE];
	[sflag:s23] =	ssyncadd.s32 $0xFFFFFFFF  }
0xa5: {  	s26 =	simm.s32 $execute0_lowered;
	[smem:$0x3FD2] =	sst s25  }
0xa6: {  	s5 =	sshll.u32 s26, $0x1;
	_ =	strace $0x80000046;
	[dreg:$0x1] =	wrdreg $0xFFFFFFFF  }
0xa7: {  	s28 =	simm.s32 $_size_execute0_lowered;
	s3 =	sadd.s32 s3, s5;
	[dreg:$0x0] =	wrdreg $0x0  }
0xa8: {  	s5 =	sshll.u32 s28, $0x1;
	[dreg:$0x2] =	wrdreg s3  }
0xa9: {  	[dreg:$0x3] =	wrdreg s5  }
0xaa: {  	[dreg:$0x4] =	wrdreg $0xC0  }
0xab: {  	_ =	task [dreg:s7], $0x5FFFF  }
0xac: {  	[dreg:$0x1] =	wrdreg $0xFFFFFFFF  }
0xad: {  	[dreg:$0x0] =	wrdreg $0x60  }
0xae: {  	[dreg:$0x2] =	wrdreg s24  }
0xaf: {  	[dreg:$0x3] =	wrdreg s2  }
0xb0: {  	[dreg:$0x4] =	wrdreg $0x9  }
0xb1: {  	_ =	task.clear_ibuf [dreg:s7], $0x5FFFF;
	_ =	strace $0x90000046  }
0xb2: {  	s29 =	simm.s32 $0x9;
	_ =	strace $0x80000048  }
0xb3: {  	_ =	swait.ge [sflag:s29], $0x1  }
0xb4: {  	[sflag:s29] =	ssyncadd.s32 $0xFFFFFFFF  }
0xb5: {  	_ =	strace $0x90000048  }
0xb6: {  	_ =	sfence  }
0xb7: {  	s30 =	sld [smem:$0x0];
	_ =	sdelay $0x2  }
0xb8: {  	s31 =	sshll.u32 s1, $0xD;
	s1 =	sshrl.u32 s1, $0x2  }
0xb9: {  	s3 =	sand.u32 $0x4000, s31;
	s1 =	sadd.s32 s1, s30  }
0xba: {  	s0 =	sor.u32 s3, s0;
	s1 =	sshll.u32 s1, $0x11  }
0xbb: {  	s0 =	sor.u32 s1, s0  }
0xbc: {  	s0 =	sadd.s32 $0x8F2B, s0  }
0xbd: {  	[sflag:s0] =	ssyncadd.remote.s32 $0x1  }
0xbe: {  	_ =	sfence.sel $0xFFFF  }
0xbf: {  	[dreg:$0x0] =	wrdreg $0xFFFFFFFF;
	(pc) =	sbr.abs _section_cstart, $3  }
0xc0: {  	[dreg:$0x1] =	wrdreg $0xFFFFFFFF  }
0xc1: {  	_ =	task.clear_ibuf [dreg:s7], $0x2FFFF;
	_ =	strace $0x9FFFFFFF  }
0xc2: {  	(tm) =	ssettm $0x7FFFFFFF  }
0xc3: {  	_ =	shalt  }
tec
execute0_lowered:
.L_overlay_start_1:
0x0: {  	(tag) =	ssettag $0x1  }
0x1: {  	s0 =	rddreg [dreg:$0x0]  }
0x2: {  	s1 =	rddreg [dreg:$0x1];
	s2 =	simm.s32 $0x0  }
0x3: {  	s3 =	srdreg.scid;
	s4 =	stileid.u32;
	s8 =	simm.s32 $0x80  }
0x4: {  	s9 =	simm.s32 $0x800;
	s10 =	simm.s32 $0x4800;
	s11 =	simm.s32 $0x1  }
0x5: {  	s13 =	simm.s32 $0x8800;
	s15 =	simm.s32 $0xC800;
	s16 =	simm.s32 $0x2  }
0x6: {  	s17 =	simm.s32 $0x200;
	s18 =	simm.s32 $0x280;
	s19 =	simm.s32 $0x300  }
0x7: {  	s20 =	simm.s32 $0x380;
	s21 =	simm.s32 $0x400;
	s22 =	simm.s32 $0x480  }
0x8: {  	s23 =	simm.s32 $0x500;
	s24 =	simm.s32 $0x580;
	s28 =	simm.s32 $0x700  }
0x9: {  	s29 =	simm.s32 $0x780;
	s30 =	simm.s32 $0x10800;
	s31 =	simm.s32 $0x0  }
0xa: {  	[smem:$0x7FF] =	sst s2;
	s3 =	sand.u32 $0x1, s3;
	s4 =	sshll.u32 s4, $0x1  }
0xb: {  	_ =	strace $0x80000047;
	s4 =	sor.u32 s3, s4;
	s5 =	ssub.s32 $0x2, s3  }
0xc: {  	s3 =	sadd.s32 $0x600, s0;
	s6 =	sshll.u32 s4, $0x8;
	s7 =	sshrl.u32 s5, $0x1  }
0xd: {  	s26 =	sshll.u32 s4, $0xA;
	s0 =	sadd.s32 s6, s0;
	s25 =	ssub.s32 s5, s7  }
0xe: {  	s5 =	sadd.s32 s1, s26;
	s7 =	simm.s32 $0x3;
	s26 =	simm.s32 $0x680  }
0xf: {  	s4 =	sadd.s32 $0x40600, s0;
	s6 =	smax.u32 s25, $0x1;
	s25 =	simm.s32 $0x600  }
.LBB2_1:
0x10: {  	[tilespmem:s2], [sflag:$0x3] =	stream.linear.gather [hbm4b:s4+s2], $0x800, $0x38;
	[tilespmem:$0x12800] =	vst v63  }
0x11: {  	_ =	swait.ge [sflag:s7], $0x800  }
0x12: {  	[sflag:s7] =	ssyncset.done $0x0  }
0x13: {  	[sflag:s7] =	ssyncadd.s32 $0xFFFFF800  }
0x14: {  	[tilespmem:s9], [sflag:$0x1] =	stream.indirect.gather [hbm4b:s3+s8], $0x80, s2, s8, $0xb8;
	[tilespmem:$0x12800] =	vst v63  }
0x15: {  	_ = 	snop  }
0x16: {  	[tilespmem:s10], [sflag:$0x1] =	stream.indirect.gather [hbm4b:s3+s8], $0x80, s8, s8, $0xb8;
	[tilespmem:$0x12800] =	vst v63  }
0x17: {  	_ =	swait.ge [sflag:s11], $0x4000  }
0x18: {  	[sflag:s11] =	ssyncset.done $0x0  }
0x19: {  	[sflag:s11] =	ssyncadd.s32 $0xFFFFC000  }
0x1a: {  	_ =	swait.ge [sflag:s11], $0x4000  }
0x1b: {  	[sflag:s11] =	ssyncset.done $0x0  }
0x1c: {  	s0 =	simm.s32 $0x100;
	[sflag:s11] =	ssyncadd.s32 $0xFFFFC000  }
0x1d: {  	[tilespmem:s13], [sflag:$0x2] =	stream.indirect.gather [hbm4b:s3+s8], $0x80, s0, s8, $0xb8;
	[tilespmem:$0x12800] =	vst v63  }
0x1e: {  	s14 =	simm.s32 $0x180;
	s0 =	simm.s32 $0x920  }
0x1f: {  	[tilespmem:s15], [sflag:$0x2] =	stream.indirect.gather [hbm4b:s3+s8], $0x80, s14, s8, $0xb8;
	[tilespmem:$0x12800] =	vst v63  }
0x20: {  	v0 =	vld [tilespmem:s0+$0xFFFFFF70]  }
0x21: {  	v1 =	vld [tilespmem:s0+$0xFFFFFEE0]  }
0x22: {  	v2 =	vld [tilespmem:s0+$0x0]  }
0x23: {  	s12 =	simm.s32 $0x40;
	s1 =	simm.s32 $0x0;
	v3 =	vld [tilespmem:s0+$0x90]  }
.LBB2_2:
0x24: {  	p0 =	sne.s32 s12, $0xFC0;
	_ =	sdelay $0x3  }
0x25: {  	v0 =	vadd.f32 v0, v1;
	v1 =	vadd.f32 v3, v2;
	_ =	sdelay $0x1  }
0x26: {  	v0 =	vadd.f32 v1, v0  }
0x27: {  	s14 =	sshra.s32 s1, $0x2;
	s1 =	smov.u32 s12  }
.Ltmp0:
0x28: {  	s0 =	sadd.s32 $0x200, s0;
	[tilespmem:s14+$0x10800] =	vst v0;
	(pc) =	sbr.rel @p0 .LBB2_2-.Ltmp0, $4  }
0x29: {  	v0 =	vld [tilespmem:s0+$0xFFFFFF70]  }
0x2a: {  	v1 =	vld [tilespmem:s0+$0xFFFFFEE0]  }
0x2b: {  	v2 =	vld [tilespmem:s0+$0x0]  }
0x2c: {  	s12 =	sadd.s32 $0x40, s12;
	v3 =	vld [tilespmem:s0+$0x90]  }
0x2d: {  	_ =	sdelay $0x3  }
0x2e: {  	v0 =	vadd.f32 v0, v1;
	v1 =	vadd.f32 v3, v2;
	_ =	sdelay $0x1  }
0x2f: {  	v0 =	vadd.f32 v1, v0  }
0x30: {  	s0 =	sshra.s32 s1, $0x2  }
0x31: {  	[tilespmem:s0+$0x10800] =	vst v0  }
0x32: {  	_ =	swait.ge [sflag:s16], $0x4000  }
0x33: {  	[sflag:s16] =	ssyncset.done $0x0  }
0x34: {  	[sflag:s16] =	ssyncadd.s32 $0xFFFFC000  }
0x35: {  	_ =	swait.ge [sflag:s16], $0x4000  }
0x36: {  	[sflag:s16] =	ssyncset.done $0x0  }
0x37: {  	[sflag:s16] =	ssyncadd.s32 $0xFFFFC000  }
0x38: {  	[tilespmem:s9], [sflag:$0x1] =	stream.indirect.gather [hbm4b:s3+s8], $0x80, s17, s8, $0xb8;
	[tilespmem:$0x12800] =	vst v63  }
0x39: {  	s0 =	simm.s32 $0x8920  }
0x3a: {  	[tilespmem:s10], [sflag:$0x1] =	stream.indirect.gather [hbm4b:s3+s8], $0x80, s18, s8, $0xb8;
	[tilespmem:$0x12800] =	vst v63  }
0x3b: {  	v0 =	vld [tilespmem:s0+$0xFFFFFF70]  }
0x3c: {  	v1 =	vld [tilespmem:s0+$0xFFFFFEE0]  }
0x3d: {  	v2 =	vld [tilespmem:s0+$0x0]  }
0x3e: {  	s1 =	simm.s32 $0x0;
	s12 =	simm.s32 $0x40;
	v3 =	vld [tilespmem:s0+$0x90]  }
.LBB2_4:
0x3f: {  	p0 =	sne.s32 s12, $0xFC0;
	_ =	sdelay $0x3  }
0x40: {  	v0 =	vadd.f32 v0, v1;
	v1 =	vadd.f32 v3, v2;
	_ =	sdelay $0x1  }
0x41: {  	v0 =	vadd.f32 v1, v0  }
0x42: {  	s14 =	sshra.s32 s1, $0x2;
	s1 =	smov.u32 s12  }
.Ltmp1:
0x43: {  	s0 =	sadd.s32 $0x200, s0;
	[tilespmem:s14+$0x10C00] =	vst v0;
	(pc) =	sbr.rel @p0 .LBB2_4-.Ltmp1, $4  }
0x44: {  	v0 =	vld [tilespmem:s0+$0xFFFFFF70]  }
0x45: {  	v1 =	vld [tilespmem:s0+$0xFFFFFEE0]  }
0x46: {  	v2 =	vld [tilespmem:s0+$0x0]  }
0x47: {  	s12 =	sadd.s32 $0x40, s12;
	v3 =	vld [tilespmem:s0+$0x90]  }
0x48: {  	_ =	sdelay $0x3  }
0x49: {  	v0 =	vadd.f32 v0, v1;
	v1 =	vadd.f32 v3, v2;
	_ =	sdelay $0x1  }
0x4a: {  	v0 =	vadd.f32 v1, v0  }
0x4b: {  	s0 =	sshra.s32 s1, $0x2  }
0x4c: {  	[tilespmem:s0+$0x10C00] =	vst v0  }
0x4d: {  	_ =	swait.ge [sflag:s11], $0x4000  }
0x4e: {  	[sflag:s11] =	ssyncset.done $0x0  }
0x4f: {  	[sflag:s11] =	ssyncadd.s32 $0xFFFFC000  }
0x50: {  	_ =	swait.ge [sflag:s11], $0x4000  }
0x51: {  	[sflag:s11] =	ssyncset.done $0x0  }
0x52: {  	[sflag:s11] =	ssyncadd.s32 $0xFFFFC000  }
0x53: {  	[tilespmem:s13], [sflag:$0x2] =	stream.indirect.gather [hbm4b:s3+s8], $0x80, s19, s8, $0xb8;
	[tilespmem:$0x12800] =	vst v63  }
0x54: {  	s0 =	simm.s32 $0x920  }
0x55: {  	[tilespmem:s15], [sflag:$0x2] =	stream.indirect.gather [hbm4b:s3+s8], $0x80, s20, s8, $0xb8;
	[tilespmem:$0x12800] =	vst v63  }
0x56: {  	v0 =	vld [tilespmem:s0+$0xFFFFFF70]  }
0x57: {  	v1 =	vld [tilespmem:s0+$0xFFFFFEE0]  }
0x58: {  	v2 =	vld [tilespmem:s0+$0x0]  }
0x59: {  	s1 =	simm.s32 $0x0;
	s12 =	simm.s32 $0x40;
	v3 =	vld [tilespmem:s0+$0x90]  }
.LBB2_6:
0x5a: {  	p0 =	sne.s32 s12, $0xFC0;
	_ =	sdelay $0x3  }
0x5b: {  	v0 =	vadd.f32 v0, v1;
	v1 =	vadd.f32 v3, v2;
	_ =	sdelay $0x1  }
0x5c: {  	v0 =	vadd.f32 v1, v0  }
0x5d: {  	s14 =	sshra.s32 s1, $0x2;
	s1 =	smov.u32 s12  }
.Ltmp2:
0x5e: {  	s0 =	sadd.s32 $0x200, s0;
	[tilespmem:s14+$0x11000] =	vst v0;
	(pc) =	sbr.rel @p0 .LBB2_6-.Ltmp2, $4  }
0x5f: {  	v0 =	vld [tilespmem:s0+$0xFFFFFF70]  }
0x60: {  	v1 =	vld [tilespmem:s0+$0xFFFFFEE0]  }
0x61: {  	v2 =	vld [tilespmem:s0+$0x0]  }
0x62: {  	s12 =	sadd.s32 $0x40, s12;
	v3 =	vld [tilespmem:s0+$0x90]  }
0x63: {  	_ =	sdelay $0x3  }
0x64: {  	v0 =	vadd.f32 v0, v1;
	v1 =	vadd.f32 v3, v2;
	_ =	sdelay $0x1  }
0x65: {  	v0 =	vadd.f32 v1, v0  }
0x66: {  	s0 =	sshra.s32 s1, $0x2  }
0x67: {  	[tilespmem:s0+$0x11000] =	vst v0  }
0x68: {  	_ =	swait.ge [sflag:s16], $0x4000  }
0x69: {  	[sflag:s16] =	ssyncset.done $0x0  }
0x6a: {  	[sflag:s16] =	ssyncadd.s32 $0xFFFFC000  }
0x6b: {  	_ =	swait.ge [sflag:s16], $0x4000  }
0x6c: {  	[sflag:s16] =	ssyncset.done $0x0  }
0x6d: {  	[sflag:s16] =	ssyncadd.s32 $0xFFFFC000  }
0x6e: {  	[tilespmem:s9], [sflag:$0x1] =	stream.indirect.gather [hbm4b:s3+s8], $0x80, s21, s8, $0xb8;
	[tilespmem:$0x12800] =	vst v63  }
0x6f: {  	s0 =	simm.s32 $0x8920  }
0x70: {  	[tilespmem:s10], [sflag:$0x1] =	stream.indirect.gather [hbm4b:s3+s8], $0x80, s22, s8, $0xb8;
	[tilespmem:$0x12800] =	vst v63  }
0x71: {  	v0 =	vld [tilespmem:s0+$0xFFFFFF70]  }
0x72: {  	v1 =	vld [tilespmem:s0+$0xFFFFFEE0]  }
0x73: {  	v2 =	vld [tilespmem:s0+$0x0]  }
0x74: {  	s1 =	simm.s32 $0x0;
	s12 =	simm.s32 $0x40;
	v3 =	vld [tilespmem:s0+$0x90]  }
.LBB2_8:
0x75: {  	p0 =	sne.s32 s12, $0xFC0;
	_ =	sdelay $0x3  }
0x76: {  	v0 =	vadd.f32 v0, v1;
	v1 =	vadd.f32 v3, v2;
	_ =	sdelay $0x1  }
0x77: {  	v0 =	vadd.f32 v1, v0  }
0x78: {  	s14 =	sshra.s32 s1, $0x2;
	s1 =	smov.u32 s12  }
.Ltmp3:
0x79: {  	s0 =	sadd.s32 $0x200, s0;
	[tilespmem:s14+$0x11400] =	vst v0;
	(pc) =	sbr.rel @p0 .LBB2_8-.Ltmp3, $4  }
0x7a: {  	v0 =	vld [tilespmem:s0+$0xFFFFFF70]  }
0x7b: {  	v1 =	vld [tilespmem:s0+$0xFFFFFEE0]  }
0x7c: {  	v2 =	vld [tilespmem:s0+$0x0]  }
0x7d: {  	s12 =	sadd.s32 $0x40, s12;
	v3 =	vld [tilespmem:s0+$0x90]  }
0x7e: {  	_ =	sdelay $0x3  }
0x7f: {  	v0 =	vadd.f32 v0, v1;
	v1 =	vadd.f32 v3, v2;
	_ =	sdelay $0x1  }
0x80: {  	v0 =	vadd.f32 v1, v0  }
0x81: {  	s0 =	sshra.s32 s1, $0x2  }
0x82: {  	[tilespmem:s0+$0x11400] =	vst v0  }
0x83: {  	_ =	swait.ge [sflag:s11], $0x4000  }
0x84: {  	[sflag:s11] =	ssyncset.done $0x0  }
0x85: {  	[sflag:s11] =	ssyncadd.s32 $0xFFFFC000  }
0x86: {  	_ =	swait.ge [sflag:s11], $0x4000  }
0x87: {  	[sflag:s11] =	ssyncset.done $0x0  }
0x88: {  	[sflag:s11] =	ssyncadd.s32 $0xFFFFC000  }
0x89: {  	[tilespmem:s13], [sflag:$0x2] =	stream.indirect.gather [hbm4b:s3+s8], $0x80, s23, s8, $0xb8;
	[tilespmem:$0x12800] =	vst v63  }
0x8a: {  	s0 =	simm.s32 $0x920  }
0x8b: {  	[tilespmem:s15], [sflag:$0x2] =	stream.indirect.gather [hbm4b:s3+s8], $0x80, s24, s8, $0xb8;
	[tilespmem:$0x12800] =	vst v63  }
0x8c: {  	v0 =	vld [tilespmem:s0+$0xFFFFFF70]  }
0x8d: {  	v1 =	vld [tilespmem:s0+$0xFFFFFEE0]  }
0x8e: {  	v2 =	vld [tilespmem:s0+$0x0]  }
0x8f: {  	s1 =	simm.s32 $0x0;
	s12 =	simm.s32 $0x40;
	v3 =	vld [tilespmem:s0+$0x90]  }
.LBB2_10:
0x90: {  	p0 =	sne.s32 s12, $0xFC0;
	_ =	sdelay $0x3  }
0x91: {  	v0 =	vadd.f32 v0, v1;
	v1 =	vadd.f32 v3, v2;
	_ =	sdelay $0x1  }
0x92: {  	v0 =	vadd.f32 v1, v0  }
0x93: {  	s14 =	sshra.s32 s1, $0x2;
	s1 =	smov.u32 s12  }
.Ltmp4:
0x94: {  	s0 =	sadd.s32 $0x200, s0;
	[tilespmem:s14+$0x11800] =	vst v0;
	(pc) =	sbr.rel @p0 .LBB2_10-.Ltmp4, $4  }
0x95: {  	v0 =	vld [tilespmem:s0+$0xFFFFFF70]  }
0x96: {  	v1 =	vld [tilespmem:s0+$0xFFFFFEE0]  }
0x97: {  	v2 =	vld [tilespmem:s0+$0x0]  }
0x98: {  	s12 =	sadd.s32 $0x40, s12;
	v3 =	vld [tilespmem:s0+$0x90]  }
0x99: {  	_ =	sdelay $0x3  }
0x9a: {  	v0 =	vadd.f32 v0, v1;
	v1 =	vadd.f32 v3, v2;
	_ =	sdelay $0x1  }
0x9b: {  	v0 =	vadd.f32 v1, v0  }
0x9c: {  	s0 =	sshra.s32 s1, $0x2  }
0x9d: {  	[tilespmem:s0+$0x11800] =	vst v0  }
0x9e: {  	_ =	swait.ge [sflag:s16], $0x4000  }
0x9f: {  	[sflag:s16] =	ssyncset.done $0x0  }
0xa0: {  	[sflag:s16] =	ssyncadd.s32 $0xFFFFC000  }
0xa1: {  	_ =	swait.ge [sflag:s16], $0x4000  }
0xa2: {  	[sflag:s16] =	ssyncset.done $0x0  }
0xa3: {  	[sflag:s16] =	ssyncadd.s32 $0xFFFFC000  }
0xa4: {  	[tilespmem:s9], [sflag:$0x1] =	stream.indirect.gather [hbm4b:s3+s8], $0x80, s25, s8, $0xb8;
	[tilespmem:$0x12800] =	vst v63  }
0xa5: {  	s0 =	simm.s32 $0x8920  }
0xa6: {  	[tilespmem:s10], [sflag:$0x1] =	stream.indirect.gather [hbm4b:s3+s8], $0x80, s26, s8, $0xb8;
	[tilespmem:$0x12800] =	vst v63  }
0xa7: {  	v0 =	vld [tilespmem:s0+$0xFFFFFF70]  }
0xa8: {  	v1 =	vld [tilespmem:s0+$0xFFFFFEE0]  }
0xa9: {  	v2 =	vld [tilespmem:s0+$0x0]  }
0xaa: {  	s1 =	simm.s32 $0x0;
	s12 =	simm.s32 $0x40;
	v3 =	vld [tilespmem:s0+$0x90]  }
.LBB2_12:
0xab: {  	p0 =	sne.s32 s12, $0xFC0;
	_ =	sdelay $0x3  }
0xac: {  	v0 =	vadd.f32 v0, v1;
	v1 =	vadd.f32 v3, v2;
	_ =	sdelay $0x1  }
0xad: {  	v0 =	vadd.f32 v1, v0  }
0xae: {  	s14 =	sshra.s32 s1, $0x2;
	s1 =	smov.u32 s12  }
.Ltmp5:
0xaf: {  	s0 =	sadd.s32 $0x200, s0;
	[tilespmem:s14+$0x11C00] =	vst v0;
	(pc) =	sbr.rel @p0 .LBB2_12-.Ltmp5, $4  }
0xb0: {  	v0 =	vld [tilespmem:s0+$0xFFFFFF70]  }
0xb1: {  	v1 =	vld [tilespmem:s0+$0xFFFFFEE0]  }
0xb2: {  	v2 =	vld [tilespmem:s0+$0x0]  }
0xb3: {  	s12 =	sadd.s32 $0x40, s12;
	v3 =	vld [tilespmem:s0+$0x90]  }
0xb4: {  	_ =	sdelay $0x3  }
0xb5: {  	v0 =	vadd.f32 v0, v1;
	v1 =	vadd.f32 v3, v2;
	_ =	sdelay $0x1  }
0xb6: {  	v0 =	vadd.f32 v1, v0  }
0xb7: {  	s0 =	sshra.s32 s1, $0x2  }
0xb8: {  	[tilespmem:s0+$0x11C00] =	vst v0  }
0xb9: {  	_ =	swait.ge [sflag:s11], $0x4000  }
0xba: {  	[sflag:s11] =	ssyncset.done $0x0  }
0xbb: {  	[sflag:s11] =	ssyncadd.s32 $0xFFFFC000  }
0xbc: {  	_ =	swait.ge [sflag:s11], $0x4000  }
0xbd: {  	[sflag:s11] =	ssyncset.done $0x0  }
0xbe: {  	[sflag:s11] =	ssyncadd.s32 $0xFFFFC000  }
0xbf: {  	[tilespmem:s13], [sflag:$0x2] =	stream.indirect.gather [hbm4b:s3+s8], $0x80, s28, s8, $0xb8;
	[tilespmem:$0x12800] =	vst v63  }
0xc0: {  	s0 =	simm.s32 $0x920  }
0xc1: {  	[tilespmem:s15], [sflag:$0x2] =	stream.indirect.gather [hbm4b:s3+s8], $0x80, s29, s8, $0xb8;
	[tilespmem:$0x12800] =	vst v63  }
0xc2: {  	v0 =	vld [tilespmem:s0+$0xFFFFFF70]  }
0xc3: {  	v1 =	vld [tilespmem:s0+$0xFFFFFEE0]  }
0xc4: {  	v2 =	vld [tilespmem:s0+$0x0]  }
0xc5: {  	s1 =	simm.s32 $0x0;
	s12 =	simm.s32 $0x40;
	v3 =	vld [tilespmem:s0+$0x90]  }
.LBB2_14:
0xc6: {  	p0 =	sne.s32 s12, $0xFC0;
	_ =	sdelay $0x3  }
0xc7: {  	v0 =	vadd.f32 v0, v1;
	v1 =	vadd.f32 v3, v2;
	_ =	sdelay $0x1  }
0xc8: {  	v0 =	vadd.f32 v1, v0  }
0xc9: {  	s14 =	sshra.s32 s1, $0x2;
	s1 =	smov.u32 s12  }
.Ltmp6:
0xca: {  	s0 =	sadd.s32 $0x200, s0;
	[tilespmem:s14+$0x12000] =	vst v0;
	(pc) =	sbr.rel @p0 .LBB2_14-.Ltmp6, $4  }
0xcb: {  	v0 =	vld [tilespmem:s0+$0xFFFFFF70]  }
0xcc: {  	v1 =	vld [tilespmem:s0+$0xFFFFFEE0]  }
0xcd: {  	v2 =	vld [tilespmem:s0+$0x0]  }
0xce: {  	s12 =	sadd.s32 $0x40, s12;
	v3 =	vld [tilespmem:s0+$0x90]  }
0xcf: {  	_ =	sdelay $0x3  }
0xd0: {  	v0 =	vadd.f32 v0, v1;
	v1 =	vadd.f32 v3, v2;
	_ =	sdelay $0x1  }
0xd1: {  	v0 =	vadd.f32 v1, v0  }
0xd2: {  	s0 =	sshra.s32 s1, $0x2  }
0xd3: {  	[tilespmem:s0+$0x12000] =	vst v0  }
0xd4: {  	_ =	swait.ge [sflag:s16], $0x4000  }
0xd5: {  	[sflag:s16] =	ssyncset.done $0x0  }
0xd6: {  	[sflag:s16] =	ssyncadd.s32 $0xFFFFC000  }
0xd7: {  	_ =	swait.ge [sflag:s16], $0x4000  }
0xd8: {  	[sflag:s16] =	ssyncset.done $0x0  }
0xd9: {  	s0 =	simm.s32 $0x8920;
	[sflag:s16] =	ssyncadd.s32 $0xFFFFC000  }
0xda: {  	v0 =	vld [tilespmem:s0+$0xFFFFFF70]  }
0xdb: {  	v1 =	vld [tilespmem:s0+$0xFFFFFEE0]  }
0xdc: {  	v2 =	vld [tilespmem:s0+$0x0]  }
0xdd: {  	s1 =	simm.s32 $0x0;
	s12 =	simm.s32 $0x40;
	v3 =	vld [tilespmem:s0+$0x90]  }
.LBB2_16:
0xde: {  	p0 =	sne.s32 s12, $0xFC0;
	_ =	sdelay $0x3  }
0xdf: {  	v0 =	vadd.f32 v0, v1;
	v1 =	vadd.f32 v3, v2;
	_ =	sdelay $0x1  }
0xe0: {  	v0 =	vadd.f32 v1, v0  }
0xe1: {  	s14 =	sshra.s32 s1, $0x2;
	s1 =	smov.u32 s12  }
.Ltmp7:
0xe2: {  	s0 =	sadd.s32 $0x200, s0;
	[tilespmem:s14+$0x12400] =	vst v0;
	(pc) =	sbr.rel @p0 .LBB2_16-.Ltmp7, $4  }
0xe3: {  	v0 =	vld [tilespmem:s0+$0xFFFFFF70]  }
0xe4: {  	v1 =	vld [tilespmem:s0+$0xFFFFFEE0]  }
0xe5: {  	v2 =	vld [tilespmem:s0+$0x0]  }
0xe6: {  	s12 =	sadd.s32 $0x40, s12;
	v3 =	vld [tilespmem:s0+$0x90]  }
0xe7: {  	_ =	sdelay $0x3  }
0xe8: {  	v0 =	vadd.f32 v0, v1;
	v63 =	vadd.f32 v3, v2;
	_ =	sdelay $0x1  }
0xe9: {  	s31 =	sadd.s32 $0x1, s31;
	v0 =	vadd.f32 v63, v0  }
0xea: {  	s0 =	sshra.s32 s1, $0x2;
	p0 =	sne.s32 s31, s6  }
.Ltmp8:
0xeb: {  	[tilespmem:s0+$0x12400] =	vst v0;
	(pc) =	sbr.rel @p0 .LBB2_1-.Ltmp8, $4  }
0xec: {  	[hbm4b:s5+s2] =	stream.linear.scatter [tilespmem:s30], [sflag:$0x3], $0x2000, $0x38;
	[tilespmem:$0x12800] =	vst v63  }
0xed: {  	_ =	swait.ge [sflag:s7], $0x2000  }
0xee: {  	[sflag:s7] =	ssyncset.done $0x0  }
0xef: {  	[sflag:s7] =	ssyncadd.s32 $0xFFFFE000  }
0xf0: {  	_ =	sfence.sel $0x180000  }
0xf1: {  	[bflag:$0x0] =	sbarrier.arrive $0xFFFF  }
0xf2: {  	_ =	strace $0x90000047  }
0xf3: {  	s0 =	stileid.u32;
	[bflag:$0x2] =	sbarrier.arrive $0xFFFF  }
0xf4: {  	p0 =	sne.s32 s0, $0x0;
	s0 =	rddreg [dreg:$0x2]  }
0xf5: {  	s0 =	sadd.s32 @!p0 $0x100000, s0  }
0xf6: {  	[sflag:s0] =	ssyncadd.tile.s32 @!p0 $0x1;
	_ =	shalt  }
.Lfunc_end2:
_tile_overlayer_lowered:
.L_overlay_start_2:
0xf7: {  	(tag) =	ssettag $0x2  }
0xf8: {  	s0 =	rddreg [dreg:$0x0];
	s2 =	stileid.u32  }
0xf9: {  	s1 =	rddreg [dreg:$0x1];
	p0 =	sne.s32 s2, $0x0  }
0xfa: {  	s3 =	rddreg [dreg:$0x2];
	[bflag:$0x3] =	sbarrier.arrive $0xFFFF;
	s2 =	simm.s32 @!p0 $0x1C03  }
0xfb: {  	[timem:s3], [sflag:s2] =	dma.local @!p0 [hbm:s0], s1  }
0xfc: {  	s0 =	simm.s32 @!p0 $0x3  }
0xfd: {  	_ =	swait.ge @!p0 [sflag:s0], s1  }
0xfe: {  	s1 =	ssub.s32 @!p0 $0x0, s1;
	[sflag:s0] =	ssyncset.done @!p0 $0x0  }
0xff: {  	[sflag:s0] =	ssyncadd.s32 @!p0 s1  }
0x100: {  	[bflag:$0x3] =	sbarrier.arrive $0xFFFF  }
0x101: {  	_ =	shalt  }

</sc_bundles>
